<compile_context>
chip_gen: v7x
topology: tpu7x:2x2x1
jax: 0.10.2.dev20260603
libtpu: 0.0.44.dev20260713+nightly
codegen_flags: <defaults>
</compile_context>

<pallas_src>
import jax
import jax.numpy as jnp
from jax import lax
from jax.experimental import pallas as pl
from jax.experimental.pallas import tpu as pltpu
from jax.experimental.pallas import tpu_sc as plsc

D_MODEL = 64
SCALE = float(D_MODEL) ** 0.5

B_ROWS = 4096
B_COLS = 200
NRING = 4
NPAIR = B_COLS
OPAD = 137


def _sc_body(idx_hbm, table_hbm, out_hbm, idx_v,
             g0, g1, g2, g3, o0, o1, o2, o3,
             gs0, gs1, gs2, gs3, os0, os1, os2, os3):
    nc = 2
    wid = lax.axis_index("s") * nc + lax.axis_index("c")

    gbuf = (g0, g1, g2, g3)
    obuf = (o0, o1, o2, o3)
    gsem = (gs0, gs1, gs2, gs3)
    osem = (os0, os1, os2, os3)

    pltpu.sync_copy(idx_hbm.at[:, wid], idx_v)

    iota = lax.iota(jnp.int32, 16)

    dhv = [(k * 16 + iota) // 8 for k in range(4)]
    dlv = [(k * 16 + iota) % 8 for k in range(4)]

    def start_gather(p, n):
        ph = p // 8
        pr = p % 8
        pltpu.async_copy(table_hbm.at[idx_v.at[ph, pr]], gbuf[n], gsem[n])

    def out_slices(p):
        return out_hbm.at[p, :, wid]

    def obuf_view(n):
        return obuf[n].at[:, :, pl.ds(0, 128)]

    def wait_gather(n):
        pltpu.make_async_copy(
            table_hbm.at[pl.ds(0, 128)], gbuf[n], gsem[n]).wait()

    for n in range(NRING):
        start_gather(n, n)

    @pl.loop(0, NPAIR // NRING)
    def _outer(s):
        for n in range(NRING):
            p = s * NRING + n

            wait_gather(n)

            @pl.when(p >= NRING)
            def _():
                pltpu.make_async_copy(
                    obuf_view(n), out_slices(p - NRING), osem[n]).wait()

            @plsc.parallel_loop(0, 128)
            def _b(b):
                bcol = jnp.full((16,), b, jnp.int32)
                for k in range(4):
                    vals = gbuf[n][b, pl.ds(k * 16, 16)]
                    plsc.store_scatter(obuf[n], [dhv[k], dlv[k], bcol],
                                       vals * SCALE)

            @pl.when(p + NRING < NPAIR)
            def _():
                start_gather(p + NRING, n)

            pltpu.async_copy(obuf_view(n), out_slices(p), osem[n])

    for n in range(NRING):
        p = NPAIR - NRING + n
        pltpu.make_async_copy(obuf_view(n), out_slices(p), osem[n]).wait()


@jax.jit
def _embed(x5, embedding):
    mesh = plsc.VectorSubcoreMesh(core_axis_name="c", subcore_axis_name="s")
    run = pl.kernel(
        _sc_body,
        out_type=jax.ShapeDtypeStruct((B_COLS, 8, 32, 8, 128), jnp.float32),
        mesh=mesh,
        compiler_params=pltpu.CompilerParams(
            use_tc_tiling_on_sc=False, needs_layout_passes=False),
        scratch_types=(
            [pltpu.VMEM((25, 8, 128), jnp.int32)]
            + [pltpu.VMEM((128, D_MODEL), jnp.float32)] * NRING
            + [pltpu.VMEM((8, 8, OPAD), jnp.float32)] * NRING
            + [pltpu.SemaphoreType.DMA] * (2 * NRING)
        ),
    )
    return run(x5, embedding)


def kernel(x, embedding):
    x5 = x.astype(jnp.int32).T.reshape(25, 8, 32, 128).transpose(0, 2, 1, 3)
    out5 = _embed(x5, embedding)
    return out5.transpose(2, 4, 0, 1, 3).reshape(B_ROWS, B_COLS, D_MODEL)

# --- scband reference (transcript-rebuilt; emitter-appended) ---
"""Pipeline reference for scband-input-embeddings-63952063037790 (READ-ONLY COPY).

The authoritative reference and input builder live on the scoring server;
editing this copy changes nothing except your own understanding.
"""

import jax, jax.numpy as jnp
import numpy as np

D_MODEL = 64
VOCAB_SIZE = 1000000

def setup_inputs(seed: int = 0) -> dict:
    key = jax.random.key(seed)
    k1, k2 = jax.random.split(key)
    x = jax.random.randint(k1, (4096, 200), 0, VOCAB_SIZE, dtype=jnp.int64 if jax.config.jax_enable_x64 else jnp.int32)
    embedding = jax.random.normal(k2, (VOCAB_SIZE, D_MODEL), dtype=jnp.float32)
    return {"x": x, "embedding": embedding}

def reference(x, embedding):
    # Faithful translation of: self.embedding(x) * self.d_model ** 0.5
    out = jnp.take(embedding, x, axis=0)
    return out * (D_MODEL ** 0.5)

if __name__ == "__main__":
    import jax
    _d = setup_inputs()
    print(jax.jit(kernel)(*tuple(_d.values())))

</pallas_src>

<mosaic_0001>
#map = affine_map<(d0, d1) -> (0, 0, 0, 0)>
#map1 = affine_map<(d0, d1) -> (0, 0)>
#map2 = affine_map<(d0, d1) -> (0, 0, 0, 0, 0)>
module attributes {stable_mosaic.version = 14 : i64} {
  func.func @_sc_body(%arg0: i32, %arg1: i32, %arg2: memref<25x32x8x128xi32, #tpu.memory_space<hbm>>, %arg3: memref<1000000x64xf32, #tpu.memory_space<hbm>>, %arg4: memref<200x8x32x8x128xf32, #tpu.memory_space<hbm>>, %arg5: memref<25x8x128xi32, #tpu.memory_space<vmem>>, %arg6: memref<128x64xf32, #tpu.memory_space<vmem>>, %arg7: memref<128x64xf32, #tpu.memory_space<vmem>>, %arg8: memref<128x64xf32, #tpu.memory_space<vmem>>, %arg9: memref<128x64xf32, #tpu.memory_space<vmem>>, %arg10: memref<8x8x137xf32, #tpu.memory_space<vmem>>, %arg11: memref<8x8x137xf32, #tpu.memory_space<vmem>>, %arg12: memref<8x8x137xf32, #tpu.memory_space<vmem>>, %arg13: memref<8x8x137xf32, #tpu.memory_space<vmem>>, %arg14: memref<!tpu.dma_semaphore, #tpu.memory_space<semaphore_mem>>, %arg15: memref<!tpu.dma_semaphore, #tpu.memory_space<semaphore_mem>>, %arg16: memref<!tpu.dma_semaphore, #tpu.memory_space<semaphore_mem>>, %arg17: memref<!tpu.dma_semaphore, #tpu.memory_space<semaphore_mem>>, %arg18: memref<!tpu.dma_semaphore, #tpu.memory_space<semaphore_mem>>, %arg19: memref<!tpu.dma_semaphore, #tpu.memory_space<semaphore_mem>>, %arg20: memref<!tpu.dma_semaphore, #tpu.memory_space<semaphore_mem>>, %arg21: memref<!tpu.dma_semaphore, #tpu.memory_space<semaphore_mem>>) attributes {dimension_semantics = [#tpu.dimension_semantics<core_parallel>, #tpu.dimension_semantics<subcore_parallel>], iteration_bounds = array<i64: 2, 16>, scalar_prefetch = 0 : i64, scratch_operands = 17 : i64, tpu.core_type = #tpu.core_type<sc_vector_subcore>, window_params = [{transform_indices = #map}, {transform_indices = #map1}, {transform_indices = #map2}]} {
    %mul3A = arith.constant 2 : i32
    %mul3A_0 = arith.muli %arg1, %mul3A : i32
    %add3A = arith.addi %mul3A_0, %arg0 : i32
    "tpu.region"() ({
      %run_scoped3A = tpu.sem_alloc : memref<!tpu.dma_semaphore, #tpu.memory_space<semaphore_mem>>
      %dma_start3A_337 = arith.constant 0 : i32
      %dma_start3A_338 = arith.constant 0 : i32
      %dma_start3A_339 = arith.constant 0 : i32
      %dma_start3A_340 = tpu.memref_slice %arg2[%dma_start3A_337, %add3A, %dma_start3A_338, %dma_start3A_339] : memref<25x32x8x128xi32, #tpu.memory_space<hbm>> -> memref<25x1x8x128xi32, #tpu.memory_space<hbm>>
      %dma_start3A_341 = tpu.memref_squeeze %dma_start3A_340 : memref<25x1x8x128xi32, #tpu.memory_space<hbm>> -> memref<25x8x128xi32, #tpu.memory_space<hbm>>
      %dma_start3A_342 = arith.constant 0 : i32
      %dma_start3A_343 = arith.constant 0 : i32
      %dma_start3A_344 = arith.constant 0 : i32
      %dma_start3A_345 = tpu.memref_slice %arg2[%dma_start3A_342, %add3A, %dma_start3A_343, %dma_start3A_344] : memref<25x32x8x128xi32, #tpu.memory_space<hbm>> -> memref<25x1x8x128xi32, #tpu.memory_space<hbm>>
      %dma_start3A_346 = tpu.memref_squeeze %dma_start3A_345 : memref<25x1x8x128xi32, #tpu.memory_space<hbm>> -> memref<25x8x128xi32, #tpu.memory_space<hbm>>
      tpu.enqueue_dma source(%dma_start3A_346 : memref<25x8x128xi32, #tpu.memory_space<hbm>>) target(%arg5 : memref<25x8x128xi32, #tpu.memory_space<vmem>>) target_semaphore(%run_scoped3A : memref<!tpu.dma_semaphore, #tpu.memory_space<semaphore_mem>>)
      %dma_wait3A_347 = arith.constant 0 : i32
      %dma_wait3A_348 = arith.constant 0 : i32
      %dma_wait3A_349 = arith.constant 0 : i32
      %dma_wait3A_350 = tpu.memref_slice %arg2[%dma_wait3A_347, %add3A, %dma_wait3A_348, %dma_wait3A_349] : memref<25x32x8x128xi32, #tpu.memory_space<hbm>> -> memref<25x1x8x128xi32, #tpu.memory_space<hbm>>
      %dma_wait3A_351 = tpu.memref_squeeze %dma_wait3A_350 : memref<25x1x8x128xi32, #tpu.memory_space<hbm>> -> memref<25x8x128xi32, #tpu.memory_space<hbm>>
      %dma_wait3A_352 = arith.constant 0 : i32
      %dma_wait3A_353 = arith.constant 0 : i32
      %dma_wait3A_354 = arith.constant 0 : i32
      %dma_wait3A_355 = tpu.memref_slice %arg2[%dma_wait3A_352, %add3A, %dma_wait3A_353, %dma_wait3A_354] : memref<25x32x8x128xi32, #tpu.memory_space<hbm>> -> memref<25x1x8x128xi32, #tpu.memory_space<hbm>>
      %dma_wait3A_356 = tpu.memref_squeeze %dma_wait3A_355 : memref<25x1x8x128xi32, #tpu.memory_space<hbm>> -> memref<25x8x128xi32, #tpu.memory_space<hbm>>
      tpu.wait_dma2 semaphore(%run_scoped3A : memref<!tpu.dma_semaphore, #tpu.memory_space<semaphore_mem>>) src(%dma_wait3A_356 : memref<25x8x128xi32, #tpu.memory_space<hbm>>) dst(%arg5 : memref<25x8x128xi32, #tpu.memory_space<vmem>>)
      tpu.yield
    }) : () -> ()
    %iota3A = tpu.iota {dimensions = array<i32: 0>} : vector<16xi32>
    %add3A_1 = arith.constant 0 : i32
    %add3A_2 = vector.broadcast %add3A_1 : i32 to vector<16xi32>
    %add3A_3 = arith.addi %add3A_2, %iota3A : vector<16xi32>
    %jit3A = arith.constant 8 : i32
    %div3A = vector.broadcast %jit3A : i32 to vector<16xi32>
    %div3A_4 = arith.divsi %add3A_3, %div3A : vector<16xi32>
    %sign3A = arith.constant 0 : i32
    %sign3A_5 = vector.broadcast %sign3A : i32 to vector<16xi32>
    %sign3A_6 = arith.cmpi sgt, %add3A_3, %sign3A_5 : vector<16xi32>
    %sign3A_7 = arith.extui %sign3A_6 : vector<16xi1> to vector<16xi32>
    %sign3A_8 = arith.constant 0 : i32
    %sign3A_9 = vector.broadcast %sign3A_8 : i32 to vector<16xi32>
    %sign3A_10 = arith.cmpi slt, %add3A_3, %sign3A_9 : vector<16xi32>
    %sign3A_11 = arith.extui %sign3A_10 : vector<16xi1> to vector<16xi32>
    %sign3A_12 = arith.subi %sign3A_7, %sign3A_11 : vector<16xi32>
    %sign3A_13 = arith.constant 0 : i32
    %sign3A_14 = arith.cmpi sgt, %jit3A, %sign3A_13 : i32
    %sign3A_15 = arith.extui %sign3A_14 : i1 to i32
    %sign3A_16 = arith.constant 0 : i32
    %sign3A_17 = arith.cmpi slt, %jit3A, %sign3A_16 : i32
    %sign3A_18 = arith.extui %sign3A_17 : i1 to i32
    %sign3A_19 = arith.subi %sign3A_15, %sign3A_18 : i32
    %ne3A = vector.broadcast %sign3A_19 : i32 to vector<16xi32>
    %ne3A_20 = arith.cmpi ne, %sign3A_12, %ne3A : vector<16xi32>
    %rem3A = vector.broadcast %jit3A : i32 to vector<16xi32>
    %rem3A_21 = arith.remsi %add3A_3, %rem3A : vector<16xi32>
    %ne3A_22 = arith.constant 0 : i32
    %ne3A_23 = vector.broadcast %ne3A_22 : i32 to vector<16xi32>
    %ne3A_24 = arith.cmpi ne, %rem3A_21, %ne3A_23 : vector<16xi32>
    %and3A = arith.andi %ne3A_20, %ne3A_24 : vector<16xi1>
    %sub3A = arith.constant 1 : i32
    %sub3A_25 = vector.broadcast %sub3A : i32 to vector<16xi32>
    %sub3A_26 = arith.subi %div3A_4, %sub3A_25 : vector<16xi32>
    %select_n3A = arith.select %and3A, %sub3A_26, %div3A_4 : vector<16xi1>, vector<16xi32>
    %add3A_27 = arith.constant 16 : i32
    %add3A_28 = vector.broadcast %add3A_27 : i32 to vector<16xi32>
    %add3A_29 = arith.addi %add3A_28, %iota3A : vector<16xi32>
    %jit3A_30 = arith.constant 8 : i32
    %div3A_31 = vector.broadcast %jit3A_30 : i32 to vector<16xi32>
    %div3A_32 = arith.divsi %add3A_29, %div3A_31 : vector<16xi32>
    %sign3A_33 = arith.constant 0 : i32
    %sign3A_34 = vector.broadcast %sign3A_33 : i32 to vector<16xi32>
    %sign3A_35 = arith.cmpi sgt, %add3A_29, %sign3A_34 : vector<16xi32>
    %sign3A_36 = arith.extui %sign3A_35 : vector<16xi1> to vector<16xi32>
    %sign3A_37 = arith.constant 0 : i32
    %sign3A_38 = vector.broadcast %sign3A_37 : i32 to vector<16xi32>
    %sign3A_39 = arith.cmpi slt, %add3A_29, %sign3A_38 : vector<16xi32>
    %sign3A_40 = arith.extui %sign3A_39 : vector<16xi1> to vector<16xi32>
    %sign3A_41 = arith.subi %sign3A_36, %sign3A_40 : vector<16xi32>
    %sign3A_42 = arith.constant 0 : i32
    %sign3A_43 = arith.cmpi sgt, %jit3A_30, %sign3A_42 : i32
    %sign3A_44 = arith.extui %sign3A_43 : i1 to i32
    %sign3A_45 = arith.constant 0 : i32
    %sign3A_46 = arith.cmpi slt, %jit3A_30, %sign3A_45 : i32
    %sign3A_47 = arith.extui %sign3A_46 : i1 to i32
    %sign3A_48 = arith.subi %sign3A_44, %sign3A_47 : i32
    %ne3A_49 = vector.broadcast %sign3A_48 : i32 to vector<16xi32>
    %ne3A_50 = arith.cmpi ne, %sign3A_41, %ne3A_49 : vector<16xi32>
    %rem3A_51 = vector.broadcast %jit3A_30 : i32 to vector<16xi32>
    %rem3A_52 = arith.remsi %add3A_29, %rem3A_51 : vector<16xi32>
    %ne3A_53 = arith.constant 0 : i32
    %ne3A_54 = vector.broadcast %ne3A_53 : i32 to vector<16xi32>
    %ne3A_55 = arith.cmpi ne, %rem3A_52, %ne3A_54 : vector<16xi32>
    %and3A_56 = arith.andi %ne3A_50, %ne3A_55 : vector<16xi1>
    %sub3A_57 = arith.constant 1 : i32
    %sub3A_58 = vector.broadcast %sub3A_57 : i32 to vector<16xi32>
    %sub3A_59 = arith.subi %div3A_32, %sub3A_58 : vector<16xi32>
    %select_n3A_60 = arith.select %and3A_56, %sub3A_59, %div3A_32 : vector<16xi1>, vector<16xi32>
    %add3A_61 = arith.constant 32 : i32
    %add3A_62 = vector.broadcast %add3A_61 : i32 to vector<16xi32>
    %add3A_63 = arith.addi %add3A_62, %iota3A : vector<16xi32>
    %jit3A_64 = arith.constant 8 : i32
    %div3A_65 = vector.broadcast %jit3A_64 : i32 to vector<16xi32>
    %div3A_66 = arith.divsi %add3A_63, %div3A_65 : vector<16xi32>
    %sign3A_67 = arith.constant 0 : i32
    %sign3A_68 = vector.broadcast %sign3A_67 : i32 to vector<16xi32>
    %sign3A_69 = arith.cmpi sgt, %add3A_63, %sign3A_68 : vector<16xi32>
    %sign3A_70 = arith.extui %sign3A_69 : vector<16xi1> to vector<16xi32>
    %sign3A_71 = arith.constant 0 : i32
    %sign3A_72 = vector.broadcast %sign3A_71 : i32 to vector<16xi32>
    %sign3A_73 = arith.cmpi slt, %add3A_63, %sign3A_72 : vector<16xi32>
    %sign3A_74 = arith.extui %sign3A_73 : vector<16xi1> to vector<16xi32>
    %sign3A_75 = arith.subi %sign3A_70, %sign3A_74 : vector<16xi32>
    %sign3A_76 = arith.constant 0 : i32
    %sign3A_77 = arith.cmpi sgt, %jit3A_64, %sign3A_76 : i32
    %sign3A_78 = arith.extui %sign3A_77 : i1 to i32
    %sign3A_79 = arith.constant 0 : i32
    %sign3A_80 = arith.cmpi slt, %jit3A_64, %sign3A_79 : i32
    %sign3A_81 = arith.extui %sign3A_80 : i1 to i32
    %sign3A_82 = arith.subi %sign3A_78, %sign3A_81 : i32
    %ne3A_83 = vector.broadcast %sign3A_82 : i32 to vector<16xi32>
    %ne3A_84 = arith.cmpi ne, %sign3A_75, %ne3A_83 : vector<16xi32>
    %rem3A_85 = vector.broadcast %jit3A_64 : i32 to vector<16xi32>
    %rem3A_86 = arith.remsi %add3A_63, %rem3A_85 : vector<16xi32>
    %ne3A_87 = arith.constant 0 : i32
    %ne3A_88 = vector.broadcast %ne3A_87 : i32 to vector<16xi32>
    %ne3A_89 = arith.cmpi ne, %rem3A_86, %ne3A_88 : vector<16xi32>
    %and3A_90 = arith.andi %ne3A_84, %ne3A_89 : vector<16xi1>
    %sub3A_91 = arith.constant 1 : i32
    %sub3A_92 = vector.broadcast %sub3A_91 : i32 to vector<16xi32>
    %sub3A_93 = arith.subi %div3A_66, %sub3A_92 : vector<16xi32>
    %select_n3A_94 = arith.select %and3A_90, %sub3A_93, %div3A_66 : vector<16xi1>, vector<16xi32>
    %add3A_95 = arith.constant 48 : i32
    %add3A_96 = vector.broadcast %add3A_95 : i32 to vector<16xi32>
    %add3A_97 = arith.addi %add3A_96, %iota3A : vector<16xi32>
    %jit3A_98 = arith.constant 8 : i32
    %div3A_99 = vector.broadcast %jit3A_98 : i32 to vector<16xi32>
    %div3A_100 = arith.divsi %add3A_97, %div3A_99 : vector<16xi32>
    %sign3A_101 = arith.constant 0 : i32
    %sign3A_102 = vector.broadcast %sign3A_101 : i32 to vector<16xi32>
    %sign3A_103 = arith.cmpi sgt, %add3A_97, %sign3A_102 : vector<16xi32>
    %sign3A_104 = arith.extui %sign3A_103 : vector<16xi1> to vector<16xi32>
    %sign3A_105 = arith.constant 0 : i32
    %sign3A_106 = vector.broadcast %sign3A_105 : i32 to vector<16xi32>
    %sign3A_107 = arith.cmpi slt, %add3A_97, %sign3A_106 : vector<16xi32>
    %sign3A_108 = arith.extui %sign3A_107 : vector<16xi1> to vector<16xi32>
    %sign3A_109 = arith.subi %sign3A_104, %sign3A_108 : vector<16xi32>
    %sign3A_110 = arith.constant 0 : i32
    %sign3A_111 = arith.cmpi sgt, %jit3A_98, %sign3A_110 : i32
    %sign3A_112 = arith.extui %sign3A_111 : i1 to i32
    %sign3A_113 = arith.constant 0 : i32
    %sign3A_114 = arith.cmpi slt, %jit3A_98, %sign3A_113 : i32
    %sign3A_115 = arith.extui %sign3A_114 : i1 to i32
    %sign3A_116 = arith.subi %sign3A_112, %sign3A_115 : i32
    %ne3A_117 = vector.broadcast %sign3A_116 : i32 to vector<16xi32>
    %ne3A_118 = arith.cmpi ne, %sign3A_109, %ne3A_117 : vector<16xi32>
    %rem3A_119 = vector.broadcast %jit3A_98 : i32 to vector<16xi32>
    %rem3A_120 = arith.remsi %add3A_97, %rem3A_119 : vector<16xi32>
    %ne3A_121 = arith.constant 0 : i32
    %ne3A_122 = vector.broadcast %ne3A_121 : i32 to vector<16xi32>
    %ne3A_123 = arith.cmpi ne, %rem3A_120, %ne3A_122 : vector<16xi32>
    %and3A_124 = arith.andi %ne3A_118, %ne3A_123 : vector<16xi1>
    %sub3A_125 = arith.constant 1 : i32
    %sub3A_126 = vector.broadcast %sub3A_125 : i32 to vector<16xi32>
    %sub3A_127 = arith.subi %div3A_100, %sub3A_126 : vector<16xi32>
    %select_n3A_128 = arith.select %and3A_124, %sub3A_127, %div3A_100 : vector<16xi1>, vector<16xi32>
    %add3A_129 = arith.constant 0 : i32
    %add3A_130 = vector.broadcast %add3A_129 : i32 to vector<16xi32>
    %add3A_131 = arith.addi %add3A_130, %iota3A : vector<16xi32>
    %jit3A_132 = arith.constant 8 : i32
    %eq3A = arith.constant 0 : i32
    %eq3A_133 = arith.cmpi eq, %jit3A_132, %eq3A : i32
    %jit3A_134 = arith.constant 1 : i32
    %select_n3A_135 = arith.select %eq3A_133, %jit3A_134, %jit3A_132 : i32
    %rem3A_136 = vector.broadcast %select_n3A_135 : i32 to vector<16xi32>
    %rem3A_137 = arith.remsi %add3A_131, %rem3A_136 : vector<16xi32>
    %ne3A_138 = arith.constant 0 : i32
    %ne3A_139 = vector.broadcast %ne3A_138 : i32 to vector<16xi32>
    %ne3A_140 = arith.cmpi ne, %rem3A_137, %ne3A_139 : vector<16xi32>
    %lt3A = arith.constant 0 : i32
    %lt3A_141 = vector.broadcast %lt3A : i32 to vector<16xi32>
    %lt3A_142 = arith.cmpi slt, %rem3A_137, %lt3A_141 : vector<16xi32>
    %lt3A_143 = arith.constant 0 : i32
    %lt3A_144 = arith.cmpi slt, %select_n3A_135, %lt3A_143 : i32
    %ne3A_145 = vector.broadcast %lt3A_144 : i1 to vector<16xi1>
    %ne3A_146 = vector.broadcast %ne3A_145 : vector<16xi1> to vector<16xi1>
    %ne3A_147 = arith.xori %lt3A_142, %ne3A_146 : vector<16xi1>
    %and3A_148 = arith.andi %ne3A_147, %ne3A_140 : vector<16xi1>
    %add3A_149 = vector.broadcast %select_n3A_135 : i32 to vector<16xi32>
    %add3A_150 = arith.addi %rem3A_137, %add3A_149 : vector<16xi32>
    %select_n3A_151 = arith.select %and3A_148, %add3A_150, %rem3A_137 : vector<16xi1>, vector<16xi32>
    %add3A_152 = arith.constant 16 : i32
    %add3A_153 = vector.broadcast %add3A_152 : i32 to vector<16xi32>
    %add3A_154 = arith.addi %add3A_153, %iota3A : vector<16xi32>
    %jit3A_155 = arith.constant 8 : i32
    %eq3A_156 = arith.constant 0 : i32
    %eq3A_157 = arith.cmpi eq, %jit3A_155, %eq3A_156 : i32
    %jit3A_158 = arith.constant 1 : i32
    %select_n3A_159 = arith.select %eq3A_157, %jit3A_158, %jit3A_155 : i32
    %rem3A_160 = vector.broadcast %select_n3A_159 : i32 to vector<16xi32>
    %rem3A_161 = arith.remsi %add3A_154, %rem3A_160 : vector<16xi32>
    %ne3A_162 = arith.constant 0 : i32
    %ne3A_163 = vector.broadcast %ne3A_162 : i32 to vector<16xi32>
    %ne3A_164 = arith.cmpi ne, %rem3A_161, %ne3A_163 : vector<16xi32>
    %lt3A_165 = arith.constant 0 : i32
    %lt3A_166 = vector.broadcast %lt3A_165 : i32 to vector<16xi32>
    %lt3A_167 = arith.cmpi slt, %rem3A_161, %lt3A_166 : vector<16xi32>
    %lt3A_168 = arith.constant 0 : i32
    %lt3A_169 = arith.cmpi slt, %select_n3A_159, %lt3A_168 : i32
    %ne3A_170 = vector.broadcast %lt3A_169 : i1 to vector<16xi1>
    %ne3A_171 = vector.broadcast %ne3A_170 : vector<16xi1> to vector<16xi1>
    %ne3A_172 = arith.xori %lt3A_167, %ne3A_171 : vector<16xi1>
    %and3A_173 = arith.andi %ne3A_172, %ne3A_164 : vector<16xi1>
    %add3A_174 = vector.broadcast %select_n3A_159 : i32 to vector<16xi32>
    %add3A_175 = arith.addi %rem3A_161, %add3A_174 : vector<16xi32>
    %select_n3A_176 = arith.select %and3A_173, %add3A_175, %rem3A_161 : vector<16xi1>, vector<16xi32>
    %add3A_177 = arith.constant 32 : i32
    %add3A_178 = vector.broadcast %add3A_177 : i32 to vector<16xi32>
    %add3A_179 = arith.addi %add3A_178, %iota3A : vector<16xi32>
    %jit3A_180 = arith.constant 8 : i32
    %eq3A_181 = arith.constant 0 : i32
    %eq3A_182 = arith.cmpi eq, %jit3A_180, %eq3A_181 : i32
    %jit3A_183 = arith.constant 1 : i32
    %select_n3A_184 = arith.select %eq3A_182, %jit3A_183, %jit3A_180 : i32
    %rem3A_185 = vector.broadcast %select_n3A_184 : i32 to vector<16xi32>
    %rem3A_186 = arith.remsi %add3A_179, %rem3A_185 : vector<16xi32>
    %ne3A_187 = arith.constant 0 : i32
    %ne3A_188 = vector.broadcast %ne3A_187 : i32 to vector<16xi32>
    %ne3A_189 = arith.cmpi ne, %rem3A_186, %ne3A_188 : vector<16xi32>
    %lt3A_190 = arith.constant 0 : i32
    %lt3A_191 = vector.broadcast %lt3A_190 : i32 to vector<16xi32>
    %lt3A_192 = arith.cmpi slt, %rem3A_186, %lt3A_191 : vector<16xi32>
    %lt3A_193 = arith.constant 0 : i32
    %lt3A_194 = arith.cmpi slt, %select_n3A_184, %lt3A_193 : i32
    %ne3A_195 = vector.broadcast %lt3A_194 : i1 to vector<16xi1>
    %ne3A_196 = vector.broadcast %ne3A_195 : vector<16xi1> to vector<16xi1>
    %ne3A_197 = arith.xori %lt3A_192, %ne3A_196 : vector<16xi1>
    %and3A_198 = arith.andi %ne3A_197, %ne3A_189 : vector<16xi1>
    %add3A_199 = vector.broadcast %select_n3A_184 : i32 to vector<16xi32>
    %add3A_200 = arith.addi %rem3A_186, %add3A_199 : vector<16xi32>
    %select_n3A_201 = arith.select %and3A_198, %add3A_200, %rem3A_186 : vector<16xi1>, vector<16xi32>
    %add3A_202 = arith.constant 48 : i32
    %add3A_203 = vector.broadcast %add3A_202 : i32 to vector<16xi32>
    %add3A_204 = arith.addi %add3A_203, %iota3A : vector<16xi32>
    %jit3A_205 = arith.constant 8 : i32
    %eq3A_206 = arith.constant 0 : i32
    %eq3A_207 = arith.cmpi eq, %jit3A_205, %eq3A_206 : i32
    %jit3A_208 = arith.constant 1 : i32
    %select_n3A_209 = arith.select %eq3A_207, %jit3A_208, %jit3A_205 : i32
    %rem3A_210 = vector.broadcast %select_n3A_209 : i32 to vector<16xi32>
    %rem3A_211 = arith.remsi %add3A_204, %rem3A_210 : vector<16xi32>
    %ne3A_212 = arith.constant 0 : i32
    %ne3A_213 = vector.broadcast %ne3A_212 : i32 to vector<16xi32>
    %ne3A_214 = arith.cmpi ne, %rem3A_211, %ne3A_213 : vector<16xi32>
    %lt3A_215 = arith.constant 0 : i32
    %lt3A_216 = vector.broadcast %lt3A_215 : i32 to vector<16xi32>
    %lt3A_217 = arith.cmpi slt, %rem3A_211, %lt3A_216 : vector<16xi32>
    %lt3A_218 = arith.constant 0 : i32
    %lt3A_219 = arith.cmpi slt, %select_n3A_209, %lt3A_218 : i32
    %ne3A_220 = vector.broadcast %lt3A_219 : i1 to vector<16xi1>
    %ne3A_221 = vector.broadcast %ne3A_220 : vector<16xi1> to vector<16xi1>
    %ne3A_222 = arith.xori %lt3A_217, %ne3A_221 : vector<16xi1>
    %and3A_223 = arith.andi %ne3A_222, %ne3A_214 : vector<16xi1>
    %add3A_224 = vector.broadcast %select_n3A_209 : i32 to vector<16xi32>
    %add3A_225 = arith.addi %rem3A_211, %add3A_224 : vector<16xi32>
    %select_n3A_226 = arith.select %and3A_223, %add3A_225, %rem3A_211 : vector<16xi1>, vector<16xi32>
    %dma_start3A = arith.constant 0 : i32
    %dma_start3A_227 = arith.constant 0 : i32
    %dma_start3A_228 = arith.constant 0 : i32
    %dma_start3A_229 = tpu.memref_slice %arg5[%dma_start3A, %dma_start3A_227, %dma_start3A_228] : memref<25x8x128xi32, #tpu.memory_space<vmem>> -> memref<1x1x128xi32, #tpu.memory_space<vmem>>
    %dma_start3A_230 = tpu.memref_squeeze %dma_start3A_229 : memref<1x1x128xi32, #tpu.memory_space<vmem>> -> memref<128xi32, #tpu.memory_space<vmem>>
    %dma_start3A_231 = arith.constant 0 : i32
    %dma_start3A_232 = arith.constant 0 : i32
    %dma_start3A_233 = tpu.memref_slice %arg3[%dma_start3A_231, %dma_start3A_232] : memref<1000000x64xf32, #tpu.memory_space<hbm>> -> memref<1000000x64xf32, #tpu.memory_space<hbm>>
    tpu.enqueue_indirect_dma source(%dma_start3A_233 : memref<1000000x64xf32, #tpu.memory_space<hbm>>) target(%arg6 : memref<128x64xf32, #tpu.memory_space<vmem>>) offsets(%dma_start3A_230 : memref<128xi32, #tpu.memory_space<vmem>>) semaphore(%arg14 : memref<!tpu.dma_semaphore, #tpu.memory_space<semaphore_mem>>)
    %dma_start3A_234 = arith.constant 0 : i32
    %dma_start3A_235 = arith.constant 1 : i32
    %dma_start3A_236 = arith.constant 0 : i32
    %dma_start3A_237 = tpu.memref_slice %arg5[%dma_start3A_234, %dma_start3A_235, %dma_start3A_236] : memref<25x8x128xi32, #tpu.memory_space<vmem>> -> memref<1x1x128xi32, #tpu.memory_space<vmem>>
    %dma_start3A_238 = tpu.memref_squeeze %dma_start3A_237 : memref<1x1x128xi32, #tpu.memory_space<vmem>> -> memref<128xi32, #tpu.memory_space<vmem>>
    %dma_start3A_239 = arith.constant 0 : i32
    %dma_start3A_240 = arith.constant 0 : i32
    %dma_start3A_241 = tpu.memref_slice %arg3[%dma_start3A_239, %dma_start3A_240] : memref<1000000x64xf32, #tpu.memory_space<hbm>> -> memref<1000000x64xf32, #tpu.memory_space<hbm>>
    tpu.enqueue_indirect_dma source(%dma_start3A_241 : memref<1000000x64xf32, #tpu.memory_space<hbm>>) target(%arg7 : memref<128x64xf32, #tpu.memory_space<vmem>>) offsets(%dma_start3A_238 : memref<128xi32, #tpu.memory_space<vmem>>) semaphore(%arg15 : memref<!tpu.dma_semaphore, #tpu.memory_space<semaphore_mem>>)
    %dma_start3A_242 = arith.constant 0 : i32
    %dma_start3A_243 = arith.constant 2 : i32
    %dma_start3A_244 = arith.constant 0 : i32
    %dma_start3A_245 = tpu.memref_slice %arg5[%dma_start3A_242, %dma_start3A_243, %dma_start3A_244] : memref<25x8x128xi32, #tpu.memory_space<vmem>> -> memref<1x1x128xi32, #tpu.memory_space<vmem>>
    %dma_start3A_246 = tpu.memref_squeeze %dma_start3A_245 : memref<1x1x128xi32, #tpu.memory_space<vmem>> -> memref<128xi32, #tpu.memory_space<vmem>>
    %dma_start3A_247 = arith.constant 0 : i32
    %dma_start3A_248 = arith.constant 0 : i32
    %dma_start3A_249 = tpu.memref_slice %arg3[%dma_start3A_247, %dma_start3A_248] : memref<1000000x64xf32, #tpu.memory_space<hbm>> -> memref<1000000x64xf32, #tpu.memory_space<hbm>>
    tpu.enqueue_indirect_dma source(%dma_start3A_249 : memref<1000000x64xf32, #tpu.memory_space<hbm>>) target(%arg8 : memref<128x64xf32, #tpu.memory_space<vmem>>) offsets(%dma_start3A_246 : memref<128xi32, #tpu.memory_space<vmem>>) semaphore(%arg16 : memref<!tpu.dma_semaphore, #tpu.memory_space<semaphore_mem>>)
    %dma_start3A_250 = arith.constant 0 : i32
    %dma_start3A_251 = arith.constant 3 : i32
    %dma_start3A_252 = arith.constant 0 : i32
    %dma_start3A_253 = tpu.memref_slice %arg5[%dma_start3A_250, %dma_start3A_251, %dma_start3A_252] : memref<25x8x128xi32, #tpu.memory_space<vmem>> -> memref<1x1x128xi32, #tpu.memory_space<vmem>>
    %dma_start3A_254 = tpu.memref_squeeze %dma_start3A_253 : memref<1x1x128xi32, #tpu.memory_space<vmem>> -> memref<128xi32, #tpu.memory_space<vmem>>
    %dma_start3A_255 = arith.constant 0 : i32
    %dma_start3A_256 = arith.constant 0 : i32
    %dma_start3A_257 = tpu.memref_slice %arg3[%dma_start3A_255, %dma_start3A_256] : memref<1000000x64xf32, #tpu.memory_space<hbm>> -> memref<1000000x64xf32, #tpu.memory_space<hbm>>
    tpu.enqueue_indirect_dma source(%dma_start3A_257 : memref<1000000x64xf32, #tpu.memory_space<hbm>>) target(%arg9 : memref<128x64xf32, #tpu.memory_space<vmem>>) offsets(%dma_start3A_254 : memref<128xi32, #tpu.memory_space<vmem>>) semaphore(%arg17 : memref<!tpu.dma_semaphore, #tpu.memory_space<semaphore_mem>>)
    %scan3A = arith.constant 0 : i32
    %scan3A_258 = arith.constant 50 : i32
    %scan3A_259 = arith.addi %scan3A, %scan3A_258 : i32
    %scan3A_260 = arith.constant 1 : i32
    scf.for %scan3A_337 = %scan3A to %scan3A_259 step %scan3A_260  : i32 {
      %mul3A_338 = arith.constant 1 : i32
      %mul3A_339 = arith.muli %scan3A_337, %mul3A_338 : i32
      %add3A_340 = arith.constant 0 : i32
      %add3A_341 = arith.addi %add3A_340, %mul3A_339 : i32
      %mul3A_342 = arith.constant 4 : i32
      %mul3A_343 = arith.muli %add3A_341, %mul3A_342 : i32
      %add3A_344 = arith.constant 0 : i32
      %add3A_345 = arith.addi %mul3A_343, %add3A_344 : i32
      %dma_wait3A_346 = arith.constant 0 : i32
      %dma_wait3A_347 = arith.constant 0 : i32
      %dma_wait3A_348 = tpu.memref_slice %arg3[%dma_wait3A_346, %dma_wait3A_347] : memref<1000000x64xf32, #tpu.memory_space<hbm>> -> memref<128x64xf32, #tpu.memory_space<hbm>>
      %dma_wait3A_349 = arith.constant 0 : i32
      %dma_wait3A_350 = arith.constant 0 : i32
      %dma_wait3A_351 = tpu.memref_slice %arg3[%dma_wait3A_349, %dma_wait3A_350] : memref<1000000x64xf32, #tpu.memory_space<hbm>> -> memref<128x64xf32, #tpu.memory_space<hbm>>
      tpu.wait_dma2 semaphore(%arg14 : memref<!tpu.dma_semaphore, #tpu.memory_space<semaphore_mem>>) src(%dma_wait3A_351 : memref<128x64xf32, #tpu.memory_space<hbm>>) dst(%arg6 : memref<128x64xf32, #tpu.memory_space<vmem>>)
      %ge3A = arith.constant 4 : i32
      %ge3A_352 = arith.cmpi sge, %add3A_345, %ge3A : i32
      %convert_element_type3A = arith.extui %ge3A_352 : i1 to i32
      %cond3A = arith.constant 0 : i32
      %cond3A_353 = arith.cmpi ne, %convert_element_type3A, %cond3A : i32
      scf.if %cond3A_353 {
        %sub3A_510 = arith.constant 4 : i32
        %sub3A_511 = arith.subi %add3A_345, %sub3A_510 : i32
        %dma_wait3A_512 = arith.constant 0 : i32
        %dma_wait3A_513 = arith.constant 0 : i32
        %dma_wait3A_514 = arith.constant 0 : i32
        %dma_wait3A_515 = tpu.memref_slice %arg10[%dma_wait3A_512, %dma_wait3A_513, %dma_wait3A_514] : memref<8x8x137xf32, #tpu.memory_space<vmem>> -> memref<8x8x128xf32, #tpu.memory_space<vmem>>
        %dma_wait3A_516 = arith.constant 0 : i32
        %dma_wait3A_517 = arith.constant 0 : i32
        %dma_wait3A_518 = arith.constant 0 : i32
        %dma_wait3A_519 = tpu.memref_slice %arg4[%sub3A_511, %dma_wait3A_516, %add3A, %dma_wait3A_517, %dma_wait3A_518] : memref<200x8x32x8x128xf32, #tpu.memory_space<hbm>> -> memref<1x8x1x8x128xf32, #tpu.memory_space<hbm>>
        %dma_wait3A_520 = tpu.memref_squeeze %dma_wait3A_519 : memref<1x8x1x8x128xf32, #tpu.memory_space<hbm>> -> memref<8x8x128xf32, #tpu.memory_space<hbm>>
        %dma_wait3A_521 = arith.constant 0 : i32
        %dma_wait3A_522 = arith.constant 0 : i32
        %dma_wait3A_523 = arith.constant 0 : i32
        %dma_wait3A_524 = tpu.memref_slice %arg4[%sub3A_511, %dma_wait3A_521, %add3A, %dma_wait3A_522, %dma_wait3A_523] : memref<200x8x32x8x128xf32, #tpu.memory_space<hbm>> -> memref<1x8x1x8x128xf32, #tpu.memory_space<hbm>>
        %dma_wait3A_525 = tpu.memref_squeeze %dma_wait3A_524 : memref<1x8x1x8x128xf32, #tpu.memory_space<hbm>> -> memref<8x8x128xf32, #tpu.memory_space<hbm>>
        %dma_wait3A_526 = arith.constant 0 : i32
        %dma_wait3A_527 = arith.constant 0 : i32
        %dma_wait3A_528 = arith.constant 0 : i32
        %dma_wait3A_529 = tpu.memref_slice %arg10[%dma_wait3A_526, %dma_wait3A_527, %dma_wait3A_528] : memref<8x8x137xf32, #tpu.memory_space<vmem>> -> memref<8x8x128xf32, #tpu.memory_space<vmem>>
        tpu.wait_dma2 semaphore(%arg18 : memref<!tpu.dma_semaphore, #tpu.memory_space<semaphore_mem>>) src(%dma_wait3A_529 : memref<8x8x128xf32, #tpu.memory_space<vmem>>) dst(%dma_wait3A_525 : memref<8x8x128xf32, #tpu.memory_space<hbm>>)
      } else {
      }
      %parallel_loop3A = arith.constant 0 : i32
      %parallel_loop3A_354 = arith.constant 128 : i32
      %parallel_loop3A_355 = arith.constant 1 : i32
      scf.for %parallel_loop3A_510 = %parallel_loop3A to %parallel_loop3A_354 step %parallel_loop3A_355  : i32 {
        %parallel_loop3A_511 = vector.broadcast %parallel_loop3A_510 : i32 to vector<16xi32>
        %parallel_loop3A_512 = arith.index_cast %parallel_loop3A_510 : i32 to index
        %parallel_loop3A_513 = arith.constant 0 : index
        %parallel_loop3A_514 = tpu.vector_load %arg6[%parallel_loop3A_512, %parallel_loop3A_513] {strides = array<i32>} : memref<128x64xf32, #tpu.memory_space<vmem>>, vector<16xf32>,
        %parallel_loop3A_515 = arith.constant 8.000000e+00 : f32
        %parallel_loop3A_516 = vector.broadcast %parallel_loop3A_515 : f32 to vector<16xf32>
        %parallel_loop3A_517 = arith.mulf %parallel_loop3A_514, %parallel_loop3A_516 : vector<16xf32>
        tpu.vector_store_idx %arg10[%select_n3A, %select_n3A_151, %parallel_loop3A_511], %parallel_loop3A_517 : memref<8x8x137xf32, #tpu.memory_space<vmem>>[vector<16xi32>, vector<16xi32>, vector<16xi32>], vector<16xf32>,
        %parallel_loop3A_518 = arith.index_cast %parallel_loop3A_510 : i32 to index
        %parallel_loop3A_519 = arith.constant 16 : index
        %parallel_loop3A_520 = tpu.vector_load %arg6[%parallel_loop3A_518, %parallel_loop3A_519] {strides = array<i32>} : memref<128x64xf32, #tpu.memory_space<vmem>>, vector<16xf32>,
        %parallel_loop3A_521 = arith.constant 8.000000e+00 : f32
        %parallel_loop3A_522 = vector.broadcast %parallel_loop3A_521 : f32 to vector<16xf32>
        %parallel_loop3A_523 = arith.mulf %parallel_loop3A_520, %parallel_loop3A_522 : vector<16xf32>
        tpu.vector_store_idx %arg10[%select_n3A_60, %select_n3A_176, %parallel_loop3A_511], %parallel_loop3A_523 : memref<8x8x137xf32, #tpu.memory_space<vmem>>[vector<16xi32>, vector<16xi32>, vector<16xi32>], vector<16xf32>,
        %parallel_loop3A_524 = arith.index_cast %parallel_loop3A_510 : i32 to index
        %parallel_loop3A_525 = arith.constant 32 : index
        %parallel_loop3A_526 = tpu.vector_load %arg6[%parallel_loop3A_524, %parallel_loop3A_525] {strides = array<i32>} : memref<128x64xf32, #tpu.memory_space<vmem>>, vector<16xf32>,
        %parallel_loop3A_527 = arith.constant 8.000000e+00 : f32
        %parallel_loop3A_528 = vector.broadcast %parallel_loop3A_527 : f32 to vector<16xf32>
        %parallel_loop3A_529 = arith.mulf %parallel_loop3A_526, %parallel_loop3A_528 : vector<16xf32>
        tpu.vector_store_idx %arg10[%select_n3A_94, %select_n3A_201, %parallel_loop3A_511], %parallel_loop3A_529 : memref<8x8x137xf32, #tpu.memory_space<vmem>>[vector<16xi32>, vector<16xi32>, vector<16xi32>], vector<16xf32>,
        %parallel_loop3A_530 = arith.index_cast %parallel_loop3A_510 : i32 to index
        %parallel_loop3A_531 = arith.constant 48 : index
        %parallel_loop3A_532 = tpu.vector_load %arg6[%parallel_loop3A_530, %parallel_loop3A_531] {strides = array<i32>} : memref<128x64xf32, #tpu.memory_space<vmem>>, vector<16xf32>,
        %parallel_loop3A_533 = arith.constant 8.000000e+00 : f32
        %parallel_loop3A_534 = vector.broadcast %parallel_loop3A_533 : f32 to vector<16xf32>
        %parallel_loop3A_535 = arith.mulf %parallel_loop3A_532, %parallel_loop3A_534 : vector<16xf32>
        tpu.vector_store_idx %arg10[%select_n3A_128, %select_n3A_226, %parallel_loop3A_511], %parallel_loop3A_535 : memref<8x8x137xf32, #tpu.memory_space<vmem>>[vector<16xi32>, vector<16xi32>, vector<16xi32>], vector<16xf32>,
      } {sc.loop_unroll_factor = 1 : i64, sc.parallel_access}
      %add3A_356 = arith.constant 4 : i32
      %add3A_357 = arith.addi %add3A_345, %add3A_356 : i32
      %lt3A_358 = arith.constant 200 : i32
      %lt3A_359 = arith.cmpi slt, %add3A_357, %lt3A_358 : i32
      %convert_element_type3A_360 = arith.extui %lt3A_359 : i1 to i32
      %cond3A_361 = arith.constant 0 : i32
      %cond3A_362 = arith.cmpi ne, %convert_element_type3A_360, %cond3A_361 : i32
      scf.if %cond3A_362 {
        %add3A_510 = arith.constant 4 : i32
        %add3A_511 = arith.addi %add3A_345, %add3A_510 : i32
        %jit3A_512 = arith.constant 8 : i32
        %div3A_513 = arith.divsi %add3A_511, %jit3A_512 : i32
        %sign3A_514 = arith.constant 0 : i32
        %sign3A_515 = arith.cmpi sgt, %add3A_511, %sign3A_514 : i32
        %sign3A_516 = arith.extui %sign3A_515 : i1 to i32
        %sign3A_517 = arith.constant 0 : i32
        %sign3A_518 = arith.cmpi slt, %add3A_511, %sign3A_517 : i32
        %sign3A_519 = arith.extui %sign3A_518 : i1 to i32
        %sign3A_520 = arith.subi %sign3A_516, %sign3A_519 : i32
        %sign3A_521 = arith.constant 0 : i32
        %sign3A_522 = arith.cmpi sgt, %jit3A_512, %sign3A_521 : i32
        %sign3A_523 = arith.extui %sign3A_522 : i1 to i32
        %sign3A_524 = arith.constant 0 : i32
        %sign3A_525 = arith.cmpi slt, %jit3A_512, %sign3A_524 : i32
        %sign3A_526 = arith.extui %sign3A_525 : i1 to i32
        %sign3A_527 = arith.subi %sign3A_523, %sign3A_526 : i32
        %ne3A_528 = arith.cmpi ne, %sign3A_520, %sign3A_527 : i32
        %rem3A_529 = arith.remsi %add3A_511, %jit3A_512 : i32
        %ne3A_530 = arith.constant 0 : i32
        %ne3A_531 = arith.cmpi ne, %rem3A_529, %ne3A_530 : i32
        %and3A_532 = arith.andi %ne3A_528, %ne3A_531 : i1
        %sub3A_533 = arith.constant 1 : i32
        %sub3A_534 = arith.subi %div3A_513, %sub3A_533 : i32
        %select_n3A_535 = arith.select %and3A_532, %sub3A_534, %div3A_513 : i32
        %jit3A_536 = arith.constant 8 : i32
        %eq3A_537 = arith.constant 0 : i32
        %eq3A_538 = arith.cmpi eq, %jit3A_536, %eq3A_537 : i32
        %jit3A_539 = arith.constant 1 : i32
        %select_n3A_540 = arith.select %eq3A_538, %jit3A_539, %jit3A_536 : i32
        %rem3A_541 = arith.remsi %add3A_511, %select_n3A_540 : i32
        %ne3A_542 = arith.constant 0 : i32
        %ne3A_543 = arith.cmpi ne, %rem3A_541, %ne3A_542 : i32
        %lt3A_544 = arith.constant 0 : i32
        %lt3A_545 = arith.cmpi slt, %rem3A_541, %lt3A_544 : i32
        %lt3A_546 = arith.constant 0 : i32
        %lt3A_547 = arith.cmpi slt, %select_n3A_540, %lt3A_546 : i32
        %ne3A_548 = arith.xori %lt3A_545, %lt3A_547 : i1
        %and3A_549 = arith.andi %ne3A_548, %ne3A_543 : i1
        %add3A_550 = arith.addi %rem3A_541, %select_n3A_540 : i32
        %select_n3A_551 = arith.select %and3A_549, %add3A_550, %rem3A_541 : i32
        %dma_start3A_552 = arith.constant 0 : i32
        %dma_start3A_553 = tpu.memref_slice %arg5[%select_n3A_535, %select_n3A_551, %dma_start3A_552] : memref<25x8x128xi32, #tpu.memory_space<vmem>> -> memref<1x1x128xi32, #tpu.memory_space<vmem>>
        %dma_start3A_554 = tpu.memref_squeeze %dma_start3A_553 : memref<1x1x128xi32, #tpu.memory_space<vmem>> -> memref<128xi32, #tpu.memory_space<vmem>>
        %dma_start3A_555 = arith.constant 0 : i32
        %dma_start3A_556 = arith.constant 0 : i32
        %dma_start3A_557 = tpu.memref_slice %arg3[%dma_start3A_555, %dma_start3A_556] : memref<1000000x64xf32, #tpu.memory_space<hbm>> -> memref<1000000x64xf32, #tpu.memory_space<hbm>>
        tpu.enqueue_indirect_dma source(%dma_start3A_557 : memref<1000000x64xf32, #tpu.memory_space<hbm>>) target(%arg6 : memref<128x64xf32, #tpu.memory_space<vmem>>) offsets(%dma_start3A_554 : memref<128xi32, #tpu.memory_space<vmem>>) semaphore(%arg14 : memref<!tpu.dma_semaphore, #tpu.memory_space<semaphore_mem>>)
      } else {
      }
      %dma_start3A_363 = arith.constant 0 : i32
      %dma_start3A_364 = arith.constant 0 : i32
      %dma_start3A_365 = arith.constant 0 : i32
      %dma_start3A_366 = tpu.memref_slice %arg10[%dma_start3A_363, %dma_start3A_364, %dma_start3A_365] : memref<8x8x137xf32, #tpu.memory_space<vmem>> -> memref<8x8x128xf32, #tpu.memory_space<vmem>>
      %dma_start3A_367 = arith.constant 0 : i32
      %dma_start3A_368 = arith.constant 0 : i32
      %dma_start3A_369 = arith.constant 0 : i32
      %dma_start3A_370 = tpu.memref_slice %arg4[%add3A_345, %dma_start3A_367, %add3A, %dma_start3A_368, %dma_start3A_369] : memref<200x8x32x8x128xf32, #tpu.memory_space<hbm>> -> memref<1x8x1x8x128xf32, #tpu.memory_space<hbm>>
      %dma_start3A_371 = tpu.memref_squeeze %dma_start3A_370 : memref<1x8x1x8x128xf32, #tpu.memory_space<hbm>> -> memref<8x8x128xf32, #tpu.memory_space<hbm>>
      %dma_start3A_372 = arith.constant 0 : i32
      %dma_start3A_373 = arith.constant 0 : i32
      %dma_start3A_374 = arith.constant 0 : i32
      %dma_start3A_375 = tpu.memref_slice %arg4[%add3A_345, %dma_start3A_372, %add3A, %dma_start3A_373, %dma_start3A_374] : memref<200x8x32x8x128xf32, #tpu.memory_space<hbm>> -> memref<1x8x1x8x128xf32, #tpu.memory_space<hbm>>
      %dma_start3A_376 = tpu.memref_squeeze %dma_start3A_375 : memref<1x8x1x8x128xf32, #tpu.memory_space<hbm>> -> memref<8x8x128xf32, #tpu.memory_space<hbm>>
      %dma_start3A_377 = arith.constant 0 : i32
      %dma_start3A_378 = arith.constant 0 : i32
      %dma_start3A_379 = arith.constant 0 : i32
      %dma_start3A_380 = tpu.memref_slice %arg10[%dma_start3A_377, %dma_start3A_378, %dma_start3A_379] : memref<8x8x137xf32, #tpu.memory_space<vmem>> -> memref<8x8x128xf32, #tpu.memory_space<vmem>>
      tpu.enqueue_dma source(%dma_start3A_380 : memref<8x8x128xf32, #tpu.memory_space<vmem>>) target(%dma_start3A_376 : memref<8x8x128xf32, #tpu.memory_space<hbm>>) target_semaphore(%arg18 : memref<!tpu.dma_semaphore, #tpu.memory_space<semaphore_mem>>)
      %mul3A_381 = arith.constant 4 : i32
      %mul3A_382 = arith.muli %add3A_341, %mul3A_381 : i32
      %add3A_383 = arith.constant 1 : i32
      %add3A_384 = arith.addi %mul3A_382, %add3A_383 : i32
      %dma_wait3A_385 = arith.constant 0 : i32
      %dma_wait3A_386 = arith.constant 0 : i32
      %dma_wait3A_387 = tpu.memref_slice %arg3[%dma_wait3A_385, %dma_wait3A_386] : memref<1000000x64xf32, #tpu.memory_space<hbm>> -> memref<128x64xf32, #tpu.memory_space<hbm>>
      %dma_wait3A_388 = arith.constant 0 : i32
      %dma_wait3A_389 = arith.constant 0 : i32
      %dma_wait3A_390 = tpu.memref_slice %arg3[%dma_wait3A_388, %dma_wait3A_389] : memref<1000000x64xf32, #tpu.memory_space<hbm>> -> memref<128x64xf32, #tpu.memory_space<hbm>>
      tpu.wait_dma2 semaphore(%arg15 : memref<!tpu.dma_semaphore, #tpu.memory_space<semaphore_mem>>) src(%dma_wait3A_390 : memref<128x64xf32, #tpu.memory_space<hbm>>) dst(%arg7 : memref<128x64xf32, #tpu.memory_space<vmem>>)
      %ge3A_391 = arith.constant 4 : i32
      %ge3A_392 = arith.cmpi sge, %add3A_384, %ge3A_391 : i32
      %convert_element_type3A_393 = arith.extui %ge3A_392 : i1 to i32
      %cond3A_394 = arith.constant 0 : i32
      %cond3A_395 = arith.cmpi ne, %convert_element_type3A_393, %cond3A_394 : i32
      scf.if %cond3A_395 {
        %sub3A_510 = arith.constant 4 : i32
        %sub3A_511 = arith.subi %add3A_384, %sub3A_510 : i32
        %dma_wait3A_512 = arith.constant 0 : i32
        %dma_wait3A_513 = arith.constant 0 : i32
        %dma_wait3A_514 = arith.constant 0 : i32
        %dma_wait3A_515 = tpu.memref_slice %arg11[%dma_wait3A_512, %dma_wait3A_513, %dma_wait3A_514] : memref<8x8x137xf32, #tpu.memory_space<vmem>> -> memref<8x8x128xf32, #tpu.memory_space<vmem>>
        %dma_wait3A_516 = arith.constant 0 : i32
        %dma_wait3A_517 = arith.constant 0 : i32
        %dma_wait3A_518 = arith.constant 0 : i32
        %dma_wait3A_519 = tpu.memref_slice %arg4[%sub3A_511, %dma_wait3A_516, %add3A, %dma_wait3A_517, %dma_wait3A_518] : memref<200x8x32x8x128xf32, #tpu.memory_space<hbm>> -> memref<1x8x1x8x128xf32, #tpu.memory_space<hbm>>
        %dma_wait3A_520 = tpu.memref_squeeze %dma_wait3A_519 : memref<1x8x1x8x128xf32, #tpu.memory_space<hbm>> -> memref<8x8x128xf32, #tpu.memory_space<hbm>>
        %dma_wait3A_521 = arith.constant 0 : i32
        %dma_wait3A_522 = arith.constant 0 : i32
        %dma_wait3A_523 = arith.constant 0 : i32
        %dma_wait3A_524 = tpu.memref_slice %arg4[%sub3A_511, %dma_wait3A_521, %add3A, %dma_wait3A_522, %dma_wait3A_523] : memref<200x8x32x8x128xf32, #tpu.memory_space<hbm>> -> memref<1x8x1x8x128xf32, #tpu.memory_space<hbm>>
        %dma_wait3A_525 = tpu.memref_squeeze %dma_wait3A_524 : memref<1x8x1x8x128xf32, #tpu.memory_space<hbm>> -> memref<8x8x128xf32, #tpu.memory_space<hbm>>
        %dma_wait3A_526 = arith.constant 0 : i32
        %dma_wait3A_527 = arith.constant 0 : i32
        %dma_wait3A_528 = arith.constant 0 : i32
        %dma_wait3A_529 = tpu.memref_slice %arg11[%dma_wait3A_526, %dma_wait3A_527, %dma_wait3A_528] : memref<8x8x137xf32, #tpu.memory_space<vmem>> -> memref<8x8x128xf32, #tpu.memory_space<vmem>>
        tpu.wait_dma2 semaphore(%arg19 : memref<!tpu.dma_semaphore, #tpu.memory_space<semaphore_mem>>) src(%dma_wait3A_529 : memref<8x8x128xf32, #tpu.memory_space<vmem>>) dst(%dma_wait3A_525 : memref<8x8x128xf32, #tpu.memory_space<hbm>>)
      } else {
      }
      %parallel_loop3A_396 = arith.constant 0 : i32
      %parallel_loop3A_397 = arith.constant 128 : i32
      %parallel_loop3A_398 = arith.constant 1 : i32
      scf.for %parallel_loop3A_510 = %parallel_loop3A_396 to %parallel_loop3A_397 step %parallel_loop3A_398  : i32 {
        %parallel_loop3A_511 = vector.broadcast %parallel_loop3A_510 : i32 to vector<16xi32>
        %parallel_loop3A_512 = arith.index_cast %parallel_loop3A_510 : i32 to index
        %parallel_loop3A_513 = arith.constant 0 : index
        %parallel_loop3A_514 = tpu.vector_load %arg7[%parallel_loop3A_512, %parallel_loop3A_513] {strides = array<i32>} : memref<128x64xf32, #tpu.memory_space<vmem>>, vector<16xf32>,
        %parallel_loop3A_515 = arith.constant 8.000000e+00 : f32
        %parallel_loop3A_516 = vector.broadcast %parallel_loop3A_515 : f32 to vector<16xf32>
        %parallel_loop3A_517 = arith.mulf %parallel_loop3A_514, %parallel_loop3A_516 : vector<16xf32>
        tpu.vector_store_idx %arg11[%select_n3A, %select_n3A_151, %parallel_loop3A_511], %parallel_loop3A_517 : memref<8x8x137xf32, #tpu.memory_space<vmem>>[vector<16xi32>, vector<16xi32>, vector<16xi32>], vector<16xf32>,
        %parallel_loop3A_518 = arith.index_cast %parallel_loop3A_510 : i32 to index
        %parallel_loop3A_519 = arith.constant 16 : index
        %parallel_loop3A_520 = tpu.vector_load %arg7[%parallel_loop3A_518, %parallel_loop3A_519] {strides = array<i32>} : memref<128x64xf32, #tpu.memory_space<vmem>>, vector<16xf32>,
        %parallel_loop3A_521 = arith.constant 8.000000e+00 : f32
        %parallel_loop3A_522 = vector.broadcast %parallel_loop3A_521 : f32 to vector<16xf32>
        %parallel_loop3A_523 = arith.mulf %parallel_loop3A_520, %parallel_loop3A_522 : vector<16xf32>
        tpu.vector_store_idx %arg11[%select_n3A_60, %select_n3A_176, %parallel_loop3A_511], %parallel_loop3A_523 : memref<8x8x137xf32, #tpu.memory_space<vmem>>[vector<16xi32>, vector<16xi32>, vector<16xi32>], vector<16xf32>,
        %parallel_loop3A_524 = arith.index_cast %parallel_loop3A_510 : i32 to index
        %parallel_loop3A_525 = arith.constant 32 : index
        %parallel_loop3A_526 = tpu.vector_load %arg7[%parallel_loop3A_524, %parallel_loop3A_525] {strides = array<i32>} : memref<128x64xf32, #tpu.memory_space<vmem>>, vector<16xf32>,
        %parallel_loop3A_527 = arith.constant 8.000000e+00 : f32
        %parallel_loop3A_528 = vector.broadcast %parallel_loop3A_527 : f32 to vector<16xf32>
        %parallel_loop3A_529 = arith.mulf %parallel_loop3A_526, %parallel_loop3A_528 : vector<16xf32>
        tpu.vector_store_idx %arg11[%select_n3A_94, %select_n3A_201, %parallel_loop3A_511], %parallel_loop3A_529 : memref<8x8x137xf32, #tpu.memory_space<vmem>>[vector<16xi32>, vector<16xi32>, vector<16xi32>], vector<16xf32>,
        %parallel_loop3A_530 = arith.index_cast %parallel_loop3A_510 : i32 to index
        %parallel_loop3A_531 = arith.constant 48 : index
        %parallel_loop3A_532 = tpu.vector_load %arg7[%parallel_loop3A_530, %parallel_loop3A_531] {strides = array<i32>} : memref<128x64xf32, #tpu.memory_space<vmem>>, vector<16xf32>,
        %parallel_loop3A_533 = arith.constant 8.000000e+00 : f32
        %parallel_loop3A_534 = vector.broadcast %parallel_loop3A_533 : f32 to vector<16xf32>
        %parallel_loop3A_535 = arith.mulf %parallel_loop3A_532, %parallel_loop3A_534 : vector<16xf32>
        tpu.vector_store_idx %arg11[%select_n3A_128, %select_n3A_226, %parallel_loop3A_511], %parallel_loop3A_535 : memref<8x8x137xf32, #tpu.memory_space<vmem>>[vector<16xi32>, vector<16xi32>, vector<16xi32>], vector<16xf32>,
      } {sc.loop_unroll_factor = 1 : i64, sc.parallel_access}
      %add3A_399 = arith.constant 4 : i32
      %add3A_400 = arith.addi %add3A_384, %add3A_399 : i32
      %lt3A_401 = arith.constant 200 : i32
      %lt3A_402 = arith.cmpi slt, %add3A_400, %lt3A_401 : i32
      %convert_element_type3A_403 = arith.extui %lt3A_402 : i1 to i32
      %cond3A_404 = arith.constant 0 : i32
      %cond3A_405 = arith.cmpi ne, %convert_element_type3A_403, %cond3A_404 : i32
      scf.if %cond3A_405 {
        %add3A_510 = arith.constant 4 : i32
        %add3A_511 = arith.addi %add3A_384, %add3A_510 : i32
        %jit3A_512 = arith.constant 8 : i32
        %div3A_513 = arith.divsi %add3A_511, %jit3A_512 : i32
        %sign3A_514 = arith.constant 0 : i32
        %sign3A_515 = arith.cmpi sgt, %add3A_511, %sign3A_514 : i32
        %sign3A_516 = arith.extui %sign3A_515 : i1 to i32
        %sign3A_517 = arith.constant 0 : i32
        %sign3A_518 = arith.cmpi slt, %add3A_511, %sign3A_517 : i32
        %sign3A_519 = arith.extui %sign3A_518 : i1 to i32
        %sign3A_520 = arith.subi %sign3A_516, %sign3A_519 : i32
        %sign3A_521 = arith.constant 0 : i32
        %sign3A_522 = arith.cmpi sgt, %jit3A_512, %sign3A_521 : i32
        %sign3A_523 = arith.extui %sign3A_522 : i1 to i32
        %sign3A_524 = arith.constant 0 : i32
        %sign3A_525 = arith.cmpi slt, %jit3A_512, %sign3A_524 : i32
        %sign3A_526 = arith.extui %sign3A_525 : i1 to i32
        %sign3A_527 = arith.subi %sign3A_523, %sign3A_526 : i32
        %ne3A_528 = arith.cmpi ne, %sign3A_520, %sign3A_527 : i32
        %rem3A_529 = arith.remsi %add3A_511, %jit3A_512 : i32
        %ne3A_530 = arith.constant 0 : i32
        %ne3A_531 = arith.cmpi ne, %rem3A_529, %ne3A_530 : i32
        %and3A_532 = arith.andi %ne3A_528, %ne3A_531 : i1
        %sub3A_533 = arith.constant 1 : i32
        %sub3A_534 = arith.subi %div3A_513, %sub3A_533 : i32
        %select_n3A_535 = arith.select %and3A_532, %sub3A_534, %div3A_513 : i32
        %jit3A_536 = arith.constant 8 : i32
        %eq3A_537 = arith.constant 0 : i32
        %eq3A_538 = arith.cmpi eq, %jit3A_536, %eq3A_537 : i32
        %jit3A_539 = arith.constant 1 : i32
        %select_n3A_540 = arith.select %eq3A_538, %jit3A_539, %jit3A_536 : i32
        %rem3A_541 = arith.remsi %add3A_511, %select_n3A_540 : i32
        %ne3A_542 = arith.constant 0 : i32
        %ne3A_543 = arith.cmpi ne, %rem3A_541, %ne3A_542 : i32
        %lt3A_544 = arith.constant 0 : i32
        %lt3A_545 = arith.cmpi slt, %rem3A_541, %lt3A_544 : i32
        %lt3A_546 = arith.constant 0 : i32
        %lt3A_547 = arith.cmpi slt, %select_n3A_540, %lt3A_546 : i32
        %ne3A_548 = arith.xori %lt3A_545, %lt3A_547 : i1
        %and3A_549 = arith.andi %ne3A_548, %ne3A_543 : i1
        %add3A_550 = arith.addi %rem3A_541, %select_n3A_540 : i32
        %select_n3A_551 = arith.select %and3A_549, %add3A_550, %rem3A_541 : i32
        %dma_start3A_552 = arith.constant 0 : i32
        %dma_start3A_553 = tpu.memref_slice %arg5[%select_n3A_535, %select_n3A_551, %dma_start3A_552] : memref<25x8x128xi32, #tpu.memory_space<vmem>> -> memref<1x1x128xi32, #tpu.memory_space<vmem>>
        %dma_start3A_554 = tpu.memref_squeeze %dma_start3A_553 : memref<1x1x128xi32, #tpu.memory_space<vmem>> -> memref<128xi32, #tpu.memory_space<vmem>>
        %dma_start3A_555 = arith.constant 0 : i32
        %dma_start3A_556 = arith.constant 0 : i32
        %dma_start3A_557 = tpu.memref_slice %arg3[%dma_start3A_555, %dma_start3A_556] : memref<1000000x64xf32, #tpu.memory_space<hbm>> -> memref<1000000x64xf32, #tpu.memory_space<hbm>>
        tpu.enqueue_indirect_dma source(%dma_start3A_557 : memref<1000000x64xf32, #tpu.memory_space<hbm>>) target(%arg7 : memref<128x64xf32, #tpu.memory_space<vmem>>) offsets(%dma_start3A_554 : memref<128xi32, #tpu.memory_space<vmem>>) semaphore(%arg15 : memref<!tpu.dma_semaphore, #tpu.memory_space<semaphore_mem>>)
      } else {
      }
      %dma_start3A_406 = arith.constant 0 : i32
      %dma_start3A_407 = arith.constant 0 : i32
      %dma_start3A_408 = arith.constant 0 : i32
      %dma_start3A_409 = tpu.memref_slice %arg11[%dma_start3A_406, %dma_start3A_407, %dma_start3A_408] : memref<8x8x137xf32, #tpu.memory_space<vmem>> -> memref<8x8x128xf32, #tpu.memory_space<vmem>>
      %dma_start3A_410 = arith.constant 0 : i32
      %dma_start3A_411 = arith.constant 0 : i32
      %dma_start3A_412 = arith.constant 0 : i32
      %dma_start3A_413 = tpu.memref_slice %arg4[%add3A_384, %dma_start3A_410, %add3A, %dma_start3A_411, %dma_start3A_412] : memref<200x8x32x8x128xf32, #tpu.memory_space<hbm>> -> memref<1x8x1x8x128xf32, #tpu.memory_space<hbm>>
      %dma_start3A_414 = tpu.memref_squeeze %dma_start3A_413 : memref<1x8x1x8x128xf32, #tpu.memory_space<hbm>> -> memref<8x8x128xf32, #tpu.memory_space<hbm>>
      %dma_start3A_415 = arith.constant 0 : i32
      %dma_start3A_416 = arith.constant 0 : i32
      %dma_start3A_417 = arith.constant 0 : i32
      %dma_start3A_418 = tpu.memref_slice %arg4[%add3A_384, %dma_start3A_415, %add3A, %dma_start3A_416, %dma_start3A_417] : memref<200x8x32x8x128xf32, #tpu.memory_space<hbm>> -> memref<1x8x1x8x128xf32, #tpu.memory_space<hbm>>
      %dma_start3A_419 = tpu.memref_squeeze %dma_start3A_418 : memref<1x8x1x8x128xf32, #tpu.memory_space<hbm>> -> memref<8x8x128xf32, #tpu.memory_space<hbm>>
      %dma_start3A_420 = arith.constant 0 : i32
      %dma_start3A_421 = arith.constant 0 : i32
      %dma_start3A_422 = arith.constant 0 : i32
      %dma_start3A_423 = tpu.memref_slice %arg11[%dma_start3A_420, %dma_start3A_421, %dma_start3A_422] : memref<8x8x137xf32, #tpu.memory_space<vmem>> -> memref<8x8x128xf32, #tpu.memory_space<vmem>>
      tpu.enqueue_dma source(%dma_start3A_423 : memref<8x8x128xf32, #tpu.memory_space<vmem>>) target(%dma_start3A_419 : memref<8x8x128xf32, #tpu.memory_space<hbm>>) target_semaphore(%arg19 : memref<!tpu.dma_semaphore, #tpu.memory_space<semaphore_mem>>)
      %mul3A_424 = arith.constant 4 : i32
      %mul3A_425 = arith.muli %add3A_341, %mul3A_424 : i32
      %add3A_426 = arith.constant 2 : i32
      %add3A_427 = arith.addi %mul3A_425, %add3A_426 : i32
      %dma_wait3A_428 = arith.constant 0 : i32
      %dma_wait3A_429 = arith.constant 0 : i32
      %dma_wait3A_430 = tpu.memref_slice %arg3[%dma_wait3A_428, %dma_wait3A_429] : memref<1000000x64xf32, #tpu.memory_space<hbm>> -> memref<128x64xf32, #tpu.memory_space<hbm>>
      %dma_wait3A_431 = arith.constant 0 : i32
      %dma_wait3A_432 = arith.constant 0 : i32
      %dma_wait3A_433 = tpu.memref_slice %arg3[%dma_wait3A_431, %dma_wait3A_432] : memref<1000000x64xf32, #tpu.memory_space<hbm>> -> memref<128x64xf32, #tpu.memory_space<hbm>>
      tpu.wait_dma2 semaphore(%arg16 : memref<!tpu.dma_semaphore, #tpu.memory_space<semaphore_mem>>) src(%dma_wait3A_433 : memref<128x64xf32, #tpu.memory_space<hbm>>) dst(%arg8 : memref<128x64xf32, #tpu.memory_space<vmem>>)
      %ge3A_434 = arith.constant 4 : i32
      %ge3A_435 = arith.cmpi sge, %add3A_427, %ge3A_434 : i32
      %convert_element_type3A_436 = arith.extui %ge3A_435 : i1 to i32
      %cond3A_437 = arith.constant 0 : i32
      %cond3A_438 = arith.cmpi ne, %convert_element_type3A_436, %cond3A_437 : i32
      scf.if %cond3A_438 {
        %sub3A_510 = arith.constant 4 : i32
        %sub3A_511 = arith.subi %add3A_427, %sub3A_510 : i32
        %dma_wait3A_512 = arith.constant 0 : i32
        %dma_wait3A_513 = arith.constant 0 : i32
        %dma_wait3A_514 = arith.constant 0 : i32
        %dma_wait3A_515 = tpu.memref_slice %arg12[%dma_wait3A_512, %dma_wait3A_513, %dma_wait3A_514] : memref<8x8x137xf32, #tpu.memory_space<vmem>> -> memref<8x8x128xf32, #tpu.memory_space<vmem>>
        %dma_wait3A_516 = arith.constant 0 : i32
        %dma_wait3A_517 = arith.constant 0 : i32
        %dma_wait3A_518 = arith.constant 0 : i32
        %dma_wait3A_519 = tpu.memref_slice %arg4[%sub3A_511, %dma_wait3A_516, %add3A, %dma_wait3A_517, %dma_wait3A_518] : memref<200x8x32x8x128xf32, #tpu.memory_space<hbm>> -> memref<1x8x1x8x128xf32, #tpu.memory_space<hbm>>
        %dma_wait3A_520 = tpu.memref_squeeze %dma_wait3A_519 : memref<1x8x1x8x128xf32, #tpu.memory_space<hbm>> -> memref<8x8x128xf32, #tpu.memory_space<hbm>>
        %dma_wait3A_521 = arith.constant 0 : i32
        %dma_wait3A_522 = arith.constant 0 : i32
        %dma_wait3A_523 = arith.constant 0 : i32
        %dma_wait3A_524 = tpu.memref_slice %arg4[%sub3A_511, %dma_wait3A_521, %add3A, %dma_wait3A_522, %dma_wait3A_523] : memref<200x8x32x8x128xf32, #tpu.memory_space<hbm>> -> memref<1x8x1x8x128xf32, #tpu.memory_space<hbm>>
        %dma_wait3A_525 = tpu.memref_squeeze %dma_wait3A_524 : memref<1x8x1x8x128xf32, #tpu.memory_space<hbm>> -> memref<8x8x128xf32, #tpu.memory_space<hbm>>
        %dma_wait3A_526 = arith.constant 0 : i32
        %dma_wait3A_527 = arith.constant 0 : i32
        %dma_wait3A_528 = arith.constant 0 : i32
        %dma_wait3A_529 = tpu.memref_slice %arg12[%dma_wait3A_526, %dma_wait3A_527, %dma_wait3A_528] : memref<8x8x137xf32, #tpu.memory_space<vmem>> -> memref<8x8x128xf32, #tpu.memory_space<vmem>>
        tpu.wait_dma2 semaphore(%arg20 : memref<!tpu.dma_semaphore, #tpu.memory_space<semaphore_mem>>) src(%dma_wait3A_529 : memref<8x8x128xf32, #tpu.memory_space<vmem>>) dst(%dma_wait3A_525 : memref<8x8x128xf32, #tpu.memory_space<hbm>>)
      } else {
      }
      %parallel_loop3A_439 = arith.constant 0 : i32
      %parallel_loop3A_440 = arith.constant 128 : i32
      %parallel_loop3A_441 = arith.constant 1 : i32
      scf.for %parallel_loop3A_510 = %parallel_loop3A_439 to %parallel_loop3A_440 step %parallel_loop3A_441  : i32 {
        %parallel_loop3A_511 = vector.broadcast %parallel_loop3A_510 : i32 to vector<16xi32>
        %parallel_loop3A_512 = arith.index_cast %parallel_loop3A_510 : i32 to index
        %parallel_loop3A_513 = arith.constant 0 : index
        %parallel_loop3A_514 = tpu.vector_load %arg8[%parallel_loop3A_512, %parallel_loop3A_513] {strides = array<i32>} : memref<128x64xf32, #tpu.memory_space<vmem>>, vector<16xf32>,
        %parallel_loop3A_515 = arith.constant 8.000000e+00 : f32
        %parallel_loop3A_516 = vector.broadcast %parallel_loop3A_515 : f32 to vector<16xf32>
        %parallel_loop3A_517 = arith.mulf %parallel_loop3A_514, %parallel_loop3A_516 : vector<16xf32>
        tpu.vector_store_idx %arg12[%select_n3A, %select_n3A_151, %parallel_loop3A_511], %parallel_loop3A_517 : memref<8x8x137xf32, #tpu.memory_space<vmem>>[vector<16xi32>, vector<16xi32>, vector<16xi32>], vector<16xf32>,
        %parallel_loop3A_518 = arith.index_cast %parallel_loop3A_510 : i32 to index
        %parallel_loop3A_519 = arith.constant 16 : index
        %parallel_loop3A_520 = tpu.vector_load %arg8[%parallel_loop3A_518, %parallel_loop3A_519] {strides = array<i32>} : memref<128x64xf32, #tpu.memory_space<vmem>>, vector<16xf32>,
        %parallel_loop3A_521 = arith.constant 8.000000e+00 : f32
        %parallel_loop3A_522 = vector.broadcast %parallel_loop3A_521 : f32 to vector<16xf32>
        %parallel_loop3A_523 = arith.mulf %parallel_loop3A_520, %parallel_loop3A_522 : vector<16xf32>
        tpu.vector_store_idx %arg12[%select_n3A_60, %select_n3A_176, %parallel_loop3A_511], %parallel_loop3A_523 : memref<8x8x137xf32, #tpu.memory_space<vmem>>[vector<16xi32>, vector<16xi32>, vector<16xi32>], vector<16xf32>,
        %parallel_loop3A_524 = arith.index_cast %parallel_loop3A_510 : i32 to index
        %parallel_loop3A_525 = arith.constant 32 : index
        %parallel_loop3A_526 = tpu.vector_load %arg8[%parallel_loop3A_524, %parallel_loop3A_525] {strides = array<i32>} : memref<128x64xf32, #tpu.memory_space<vmem>>, vector<16xf32>,
        %parallel_loop3A_527 = arith.constant 8.000000e+00 : f32
        %parallel_loop3A_528 = vector.broadcast %parallel_loop3A_527 : f32 to vector<16xf32>
        %parallel_loop3A_529 = arith.mulf %parallel_loop3A_526, %parallel_loop3A_528 : vector<16xf32>
        tpu.vector_store_idx %arg12[%select_n3A_94, %select_n3A_201, %parallel_loop3A_511], %parallel_loop3A_529 : memref<8x8x137xf32, #tpu.memory_space<vmem>>[vector<16xi32>, vector<16xi32>, vector<16xi32>], vector<16xf32>,
        %parallel_loop3A_530 = arith.index_cast %parallel_loop3A_510 : i32 to index
        %parallel_loop3A_531 = arith.constant 48 : index
        %parallel_loop3A_532 = tpu.vector_load %arg8[%parallel_loop3A_530, %parallel_loop3A_531] {strides = array<i32>} : memref<128x64xf32, #tpu.memory_space<vmem>>, vector<16xf32>,
        %parallel_loop3A_533 = arith.constant 8.000000e+00 : f32
        %parallel_loop3A_534 = vector.broadcast %parallel_loop3A_533 : f32 to vector<16xf32>
        %parallel_loop3A_535 = arith.mulf %parallel_loop3A_532, %parallel_loop3A_534 : vector<16xf32>
        tpu.vector_store_idx %arg12[%select_n3A_128, %select_n3A_226, %parallel_loop3A_511], %parallel_loop3A_535 : memref<8x8x137xf32, #tpu.memory_space<vmem>>[vector<16xi32>, vector<16xi32>, vector<16xi32>], vector<16xf32>,
      } {sc.loop_unroll_factor = 1 : i64, sc.parallel_access}
      %add3A_442 = arith.constant 4 : i32
      %add3A_443 = arith.addi %add3A_427, %add3A_442 : i32
      %lt3A_444 = arith.constant 200 : i32
      %lt3A_445 = arith.cmpi slt, %add3A_443, %lt3A_444 : i32
      %convert_element_type3A_446 = arith.extui %lt3A_445 : i1 to i32
      %cond3A_447 = arith.constant 0 : i32
      %cond3A_448 = arith.cmpi ne, %convert_element_type3A_446, %cond3A_447 : i32
      scf.if %cond3A_448 {
        %add3A_510 = arith.constant 4 : i32
        %add3A_511 = arith.addi %add3A_427, %add3A_510 : i32
        %jit3A_512 = arith.constant 8 : i32
        %div3A_513 = arith.divsi %add3A_511, %jit3A_512 : i32
        %sign3A_514 = arith.constant 0 : i32
        %sign3A_515 = arith.cmpi sgt, %add3A_511, %sign3A_514 : i32
        %sign3A_516 = arith.extui %sign3A_515 : i1 to i32
        %sign3A_517 = arith.constant 0 : i32
        %sign3A_518 = arith.cmpi slt, %add3A_511, %sign3A_517 : i32
        %sign3A_519 = arith.extui %sign3A_518 : i1 to i32
        %sign3A_520 = arith.subi %sign3A_516, %sign3A_519 : i32
        %sign3A_521 = arith.constant 0 : i32
        %sign3A_522 = arith.cmpi sgt, %jit3A_512, %sign3A_521 : i32
        %sign3A_523 = arith.extui %sign3A_522 : i1 to i32
        %sign3A_524 = arith.constant 0 : i32
        %sign3A_525 = arith.cmpi slt, %jit3A_512, %sign3A_524 : i32
        %sign3A_526 = arith.extui %sign3A_525 : i1 to i32
        %sign3A_527 = arith.subi %sign3A_523, %sign3A_526 : i32
        %ne3A_528 = arith.cmpi ne, %sign3A_520, %sign3A_527 : i32
        %rem3A_529 = arith.remsi %add3A_511, %jit3A_512 : i32
        %ne3A_530 = arith.constant 0 : i32
        %ne3A_531 = arith.cmpi ne, %rem3A_529, %ne3A_530 : i32
        %and3A_532 = arith.andi %ne3A_528, %ne3A_531 : i1
        %sub3A_533 = arith.constant 1 : i32
        %sub3A_534 = arith.subi %div3A_513, %sub3A_533 : i32
        %select_n3A_535 = arith.select %and3A_532, %sub3A_534, %div3A_513 : i32
        %jit3A_536 = arith.constant 8 : i32
        %eq3A_537 = arith.constant 0 : i32
        %eq3A_538 = arith.cmpi eq, %jit3A_536, %eq3A_537 : i32
        %jit3A_539 = arith.constant 1 : i32
        %select_n3A_540 = arith.select %eq3A_538, %jit3A_539, %jit3A_536 : i32
        %rem3A_541 = arith.remsi %add3A_511, %select_n3A_540 : i32
        %ne3A_542 = arith.constant 0 : i32
        %ne3A_543 = arith.cmpi ne, %rem3A_541, %ne3A_542 : i32
        %lt3A_544 = arith.constant 0 : i32
        %lt3A_545 = arith.cmpi slt, %rem3A_541, %lt3A_544 : i32
        %lt3A_546 = arith.constant 0 : i32
        %lt3A_547 = arith.cmpi slt, %select_n3A_540, %lt3A_546 : i32
        %ne3A_548 = arith.xori %lt3A_545, %lt3A_547 : i1
        %and3A_549 = arith.andi %ne3A_548, %ne3A_543 : i1
        %add3A_550 = arith.addi %rem3A_541, %select_n3A_540 : i32
        %select_n3A_551 = arith.select %and3A_549, %add3A_550, %rem3A_541 : i32
        %dma_start3A_552 = arith.constant 0 : i32
        %dma_start3A_553 = tpu.memref_slice %arg5[%select_n3A_535, %select_n3A_551, %dma_start3A_552] : memref<25x8x128xi32, #tpu.memory_space<vmem>> -> memref<1x1x128xi32, #tpu.memory_space<vmem>>
        %dma_start3A_554 = tpu.memref_squeeze %dma_start3A_553 : memref<1x1x128xi32, #tpu.memory_space<vmem>> -> memref<128xi32, #tpu.memory_space<vmem>>
        %dma_start3A_555 = arith.constant 0 : i32
        %dma_start3A_556 = arith.constant 0 : i32
        %dma_start3A_557 = tpu.memref_slice %arg3[%dma_start3A_555, %dma_start3A_556] : memref<1000000x64xf32, #tpu.memory_space<hbm>> -> memref<1000000x64xf32, #tpu.memory_space<hbm>>
        tpu.enqueue_indirect_dma source(%dma_start3A_557 : memref<1000000x64xf32, #tpu.memory_space<hbm>>) target(%arg8 : memref<128x64xf32, #tpu.memory_space<vmem>>) offsets(%dma_start3A_554 : memref<128xi32, #tpu.memory_space<vmem>>) semaphore(%arg16 : memref<!tpu.dma_semaphore, #tpu.memory_space<semaphore_mem>>)
      } else {
      }
      %dma_start3A_449 = arith.constant 0 : i32
      %dma_start3A_450 = arith.constant 0 : i32
      %dma_start3A_451 = arith.constant 0 : i32
      %dma_start3A_452 = tpu.memref_slice %arg12[%dma_start3A_449, %dma_start3A_450, %dma_start3A_451] : memref<8x8x137xf32, #tpu.memory_space<vmem>> -> memref<8x8x128xf32, #tpu.memory_space<vmem>>
      %dma_start3A_453 = arith.constant 0 : i32
      %dma_start3A_454 = arith.constant 0 : i32
      %dma_start3A_455 = arith.constant 0 : i32
      %dma_start3A_456 = tpu.memref_slice %arg4[%add3A_427, %dma_start3A_453, %add3A, %dma_start3A_454, %dma_start3A_455] : memref<200x8x32x8x128xf32, #tpu.memory_space<hbm>> -> memref<1x8x1x8x128xf32, #tpu.memory_space<hbm>>
      %dma_start3A_457 = tpu.memref_squeeze %dma_start3A_456 : memref<1x8x1x8x128xf32, #tpu.memory_space<hbm>> -> memref<8x8x128xf32, #tpu.memory_space<hbm>>
      %dma_start3A_458 = arith.constant 0 : i32
      %dma_start3A_459 = arith.constant 0 : i32
      %dma_start3A_460 = arith.constant 0 : i32
      %dma_start3A_461 = tpu.memref_slice %arg4[%add3A_427, %dma_start3A_458, %add3A, %dma_start3A_459, %dma_start3A_460] : memref<200x8x32x8x128xf32, #tpu.memory_space<hbm>> -> memref<1x8x1x8x128xf32, #tpu.memory_space<hbm>>
      %dma_start3A_462 = tpu.memref_squeeze %dma_start3A_461 : memref<1x8x1x8x128xf32, #tpu.memory_space<hbm>> -> memref<8x8x128xf32, #tpu.memory_space<hbm>>
      %dma_start3A_463 = arith.constant 0 : i32
      %dma_start3A_464 = arith.constant 0 : i32
      %dma_start3A_465 = arith.constant 0 : i32
      %dma_start3A_466 = tpu.memref_slice %arg12[%dma_start3A_463, %dma_start3A_464, %dma_start3A_465] : memref<8x8x137xf32, #tpu.memory_space<vmem>> -> memref<8x8x128xf32, #tpu.memory_space<vmem>>
      tpu.enqueue_dma source(%dma_start3A_466 : memref<8x8x128xf32, #tpu.memory_space<vmem>>) target(%dma_start3A_462 : memref<8x8x128xf32, #tpu.memory_space<hbm>>) target_semaphore(%arg20 : memref<!tpu.dma_semaphore, #tpu.memory_space<semaphore_mem>>)
      %mul3A_467 = arith.constant 4 : i32
      %mul3A_468 = arith.muli %add3A_341, %mul3A_467 : i32
      %add3A_469 = arith.constant 3 : i32
      %add3A_470 = arith.addi %mul3A_468, %add3A_469 : i32
      %dma_wait3A_471 = arith.constant 0 : i32
      %dma_wait3A_472 = arith.constant 0 : i32
      %dma_wait3A_473 = tpu.memref_slice %arg3[%dma_wait3A_471, %dma_wait3A_472] : memref<1000000x64xf32, #tpu.memory_space<hbm>> -> memref<128x64xf32, #tpu.memory_space<hbm>>
      %dma_wait3A_474 = arith.constant 0 : i32
      %dma_wait3A_475 = arith.constant 0 : i32
      %dma_wait3A_476 = tpu.memref_slice %arg3[%dma_wait3A_474, %dma_wait3A_475] : memref<1000000x64xf32, #tpu.memory_space<hbm>> -> memref<128x64xf32, #tpu.memory_space<hbm>>
      tpu.wait_dma2 semaphore(%arg17 : memref<!tpu.dma_semaphore, #tpu.memory_space<semaphore_mem>>) src(%dma_wait3A_476 : memref<128x64xf32, #tpu.memory_space<hbm>>) dst(%arg9 : memref<128x64xf32, #tpu.memory_space<vmem>>)
      %ge3A_477 = arith.constant 4 : i32
      %ge3A_478 = arith.cmpi sge, %add3A_470, %ge3A_477 : i32
      %convert_element_type3A_479 = arith.extui %ge3A_478 : i1 to i32
      %cond3A_480 = arith.constant 0 : i32
      %cond3A_481 = arith.cmpi ne, %convert_element_type3A_479, %cond3A_480 : i32
      scf.if %cond3A_481 {
        %sub3A_510 = arith.constant 4 : i32
        %sub3A_511 = arith.subi %add3A_470, %sub3A_510 : i32
        %dma_wait3A_512 = arith.constant 0 : i32
        %dma_wait3A_513 = arith.constant 0 : i32
        %dma_wait3A_514 = arith.constant 0 : i32
        %dma_wait3A_515 = tpu.memref_slice %arg13[%dma_wait3A_512, %dma_wait3A_513, %dma_wait3A_514] : memref<8x8x137xf32, #tpu.memory_space<vmem>> -> memref<8x8x128xf32, #tpu.memory_space<vmem>>
        %dma_wait3A_516 = arith.constant 0 : i32
        %dma_wait3A_517 = arith.constant 0 : i32
        %dma_wait3A_518 = arith.constant 0 : i32
        %dma_wait3A_519 = tpu.memref_slice %arg4[%sub3A_511, %dma_wait3A_516, %add3A, %dma_wait3A_517, %dma_wait3A_518] : memref<200x8x32x8x128xf32, #tpu.memory_space<hbm>> -> memref<1x8x1x8x128xf32, #tpu.memory_space<hbm>>
        %dma_wait3A_520 = tpu.memref_squeeze %dma_wait3A_519 : memref<1x8x1x8x128xf32, #tpu.memory_space<hbm>> -> memref<8x8x128xf32, #tpu.memory_space<hbm>>
        %dma_wait3A_521 = arith.constant 0 : i32
        %dma_wait3A_522 = arith.constant 0 : i32
        %dma_wait3A_523 = arith.constant 0 : i32
        %dma_wait3A_524 = tpu.memref_slice %arg4[%sub3A_511, %dma_wait3A_521, %add3A, %dma_wait3A_522, %dma_wait3A_523] : memref<200x8x32x8x128xf32, #tpu.memory_space<hbm>> -> memref<1x8x1x8x128xf32, #tpu.memory_space<hbm>>
        %dma_wait3A_525 = tpu.memref_squeeze %dma_wait3A_524 : memref<1x8x1x8x128xf32, #tpu.memory_space<hbm>> -> memref<8x8x128xf32, #tpu.memory_space<hbm>>
        %dma_wait3A_526 = arith.constant 0 : i32
        %dma_wait3A_527 = arith.constant 0 : i32
        %dma_wait3A_528 = arith.constant 0 : i32
        %dma_wait3A_529 = tpu.memref_slice %arg13[%dma_wait3A_526, %dma_wait3A_527, %dma_wait3A_528] : memref<8x8x137xf32, #tpu.memory_space<vmem>> -> memref<8x8x128xf32, #tpu.memory_space<vmem>>
        tpu.wait_dma2 semaphore(%arg21 : memref<!tpu.dma_semaphore, #tpu.memory_space<semaphore_mem>>) src(%dma_wait3A_529 : memref<8x8x128xf32, #tpu.memory_space<vmem>>) dst(%dma_wait3A_525 : memref<8x8x128xf32, #tpu.memory_space<hbm>>)
      } else {
      }
      %parallel_loop3A_482 = arith.constant 0 : i32
      %parallel_loop3A_483 = arith.constant 128 : i32
      %parallel_loop3A_484 = arith.constant 1 : i32
      scf.for %parallel_loop3A_510 = %parallel_loop3A_482 to %parallel_loop3A_483 step %parallel_loop3A_484  : i32 {
        %parallel_loop3A_511 = vector.broadcast %parallel_loop3A_510 : i32 to vector<16xi32>
        %parallel_loop3A_512 = arith.index_cast %parallel_loop3A_510 : i32 to index
        %parallel_loop3A_513 = arith.constant 0 : index
        %parallel_loop3A_514 = tpu.vector_load %arg9[%parallel_loop3A_512, %parallel_loop3A_513] {strides = array<i32>} : memref<128x64xf32, #tpu.memory_space<vmem>>, vector<16xf32>,
        %parallel_loop3A_515 = arith.constant 8.000000e+00 : f32
        %parallel_loop3A_516 = vector.broadcast %parallel_loop3A_515 : f32 to vector<16xf32>
        %parallel_loop3A_517 = arith.mulf %parallel_loop3A_514, %parallel_loop3A_516 : vector<16xf32>
        tpu.vector_store_idx %arg13[%select_n3A, %select_n3A_151, %parallel_loop3A_511], %parallel_loop3A_517 : memref<8x8x137xf32, #tpu.memory_space<vmem>>[vector<16xi32>, vector<16xi32>, vector<16xi32>], vector<16xf32>,
        %parallel_loop3A_518 = arith.index_cast %parallel_loop3A_510 : i32 to index
        %parallel_loop3A_519 = arith.constant 16 : index
        %parallel_loop3A_520 = tpu.vector_load %arg9[%parallel_loop3A_518, %parallel_loop3A_519] {strides = array<i32>} : memref<128x64xf32, #tpu.memory_space<vmem>>, vector<16xf32>,
        %parallel_loop3A_521 = arith.constant 8.000000e+00 : f32
        %parallel_loop3A_522 = vector.broadcast %parallel_loop3A_521 : f32 to vector<16xf32>
        %parallel_loop3A_523 = arith.mulf %parallel_loop3A_520, %parallel_loop3A_522 : vector<16xf32>
        tpu.vector_store_idx %arg13[%select_n3A_60, %select_n3A_176, %parallel_loop3A_511], %parallel_loop3A_523 : memref<8x8x137xf32, #tpu.memory_space<vmem>>[vector<16xi32>, vector<16xi32>, vector<16xi32>], vector<16xf32>,
        %parallel_loop3A_524 = arith.index_cast %parallel_loop3A_510 : i32 to index
        %parallel_loop3A_525 = arith.constant 32 : index
        %parallel_loop3A_526 = tpu.vector_load %arg9[%parallel_loop3A_524, %parallel_loop3A_525] {strides = array<i32>} : memref<128x64xf32, #tpu.memory_space<vmem>>, vector<16xf32>,
        %parallel_loop3A_527 = arith.constant 8.000000e+00 : f32
        %parallel_loop3A_528 = vector.broadcast %parallel_loop3A_527 : f32 to vector<16xf32>
        %parallel_loop3A_529 = arith.mulf %parallel_loop3A_526, %parallel_loop3A_528 : vector<16xf32>
        tpu.vector_store_idx %arg13[%select_n3A_94, %select_n3A_201, %parallel_loop3A_511], %parallel_loop3A_529 : memref<8x8x137xf32, #tpu.memory_space<vmem>>[vector<16xi32>, vector<16xi32>, vector<16xi32>], vector<16xf32>,
        %parallel_loop3A_530 = arith.index_cast %parallel_loop3A_510 : i32 to index
        %parallel_loop3A_531 = arith.constant 48 : index
        %parallel_loop3A_532 = tpu.vector_load %arg9[%parallel_loop3A_530, %parallel_loop3A_531] {strides = array<i32>} : memref<128x64xf32, #tpu.memory_space<vmem>>, vector<16xf32>,
        %parallel_loop3A_533 = arith.constant 8.000000e+00 : f32
        %parallel_loop3A_534 = vector.broadcast %parallel_loop3A_533 : f32 to vector<16xf32>
        %parallel_loop3A_535 = arith.mulf %parallel_loop3A_532, %parallel_loop3A_534 : vector<16xf32>
        tpu.vector_store_idx %arg13[%select_n3A_128, %select_n3A_226, %parallel_loop3A_511], %parallel_loop3A_535 : memref<8x8x137xf32, #tpu.memory_space<vmem>>[vector<16xi32>, vector<16xi32>, vector<16xi32>], vector<16xf32>,
      } {sc.loop_unroll_factor = 1 : i64, sc.parallel_access}
      %add3A_485 = arith.constant 4 : i32
      %add3A_486 = arith.addi %add3A_470, %add3A_485 : i32
      %lt3A_487 = arith.constant 200 : i32
      %lt3A_488 = arith.cmpi slt, %add3A_486, %lt3A_487 : i32
      %convert_element_type3A_489 = arith.extui %lt3A_488 : i1 to i32
      %cond3A_490 = arith.constant 0 : i32
      %cond3A_491 = arith.cmpi ne, %convert_element_type3A_489, %cond3A_490 : i32
      scf.if %cond3A_491 {
        %add3A_510 = arith.constant 4 : i32
        %add3A_511 = arith.addi %add3A_470, %add3A_510 : i32
        %jit3A_512 = arith.constant 8 : i32
        %div3A_513 = arith.divsi %add3A_511, %jit3A_512 : i32
        %sign3A_514 = arith.constant 0 : i32
        %sign3A_515 = arith.cmpi sgt, %add3A_511, %sign3A_514 : i32
        %sign3A_516 = arith.extui %sign3A_515 : i1 to i32
        %sign3A_517 = arith.constant 0 : i32
        %sign3A_518 = arith.cmpi slt, %add3A_511, %sign3A_517 : i32
        %sign3A_519 = arith.extui %sign3A_518 : i1 to i32
        %sign3A_520 = arith.subi %sign3A_516, %sign3A_519 : i32
        %sign3A_521 = arith.constant 0 : i32
        %sign3A_522 = arith.cmpi sgt, %jit3A_512, %sign3A_521 : i32
        %sign3A_523 = arith.extui %sign3A_522 : i1 to i32
        %sign3A_524 = arith.constant 0 : i32
        %sign3A_525 = arith.cmpi slt, %jit3A_512, %sign3A_524 : i32
        %sign3A_526 = arith.extui %sign3A_525 : i1 to i32
        %sign3A_527 = arith.subi %sign3A_523, %sign3A_526 : i32
        %ne3A_528 = arith.cmpi ne, %sign3A_520, %sign3A_527 : i32
        %rem3A_529 = arith.remsi %add3A_511, %jit3A_512 : i32
        %ne3A_530 = arith.constant 0 : i32
        %ne3A_531 = arith.cmpi ne, %rem3A_529, %ne3A_530 : i32
        %and3A_532 = arith.andi %ne3A_528, %ne3A_531 : i1
        %sub3A_533 = arith.constant 1 : i32
        %sub3A_534 = arith.subi %div3A_513, %sub3A_533 : i32
        %select_n3A_535 = arith.select %and3A_532, %sub3A_534, %div3A_513 : i32
        %jit3A_536 = arith.constant 8 : i32
        %eq3A_537 = arith.constant 0 : i32
        %eq3A_538 = arith.cmpi eq, %jit3A_536, %eq3A_537 : i32
        %jit3A_539 = arith.constant 1 : i32
        %select_n3A_540 = arith.select %eq3A_538, %jit3A_539, %jit3A_536 : i32
        %rem3A_541 = arith.remsi %add3A_511, %select_n3A_540 : i32
        %ne3A_542 = arith.constant 0 : i32
        %ne3A_543 = arith.cmpi ne, %rem3A_541, %ne3A_542 : i32
        %lt3A_544 = arith.constant 0 : i32
        %lt3A_545 = arith.cmpi slt, %rem3A_541, %lt3A_544 : i32
        %lt3A_546 = arith.constant 0 : i32
        %lt3A_547 = arith.cmpi slt, %select_n3A_540, %lt3A_546 : i32
        %ne3A_548 = arith.xori %lt3A_545, %lt3A_547 : i1
        %and3A_549 = arith.andi %ne3A_548, %ne3A_543 : i1
        %add3A_550 = arith.addi %rem3A_541, %select_n3A_540 : i32
        %select_n3A_551 = arith.select %and3A_549, %add3A_550, %rem3A_541 : i32
        %dma_start3A_552 = arith.constant 0 : i32
        %dma_start3A_553 = tpu.memref_slice %arg5[%select_n3A_535, %select_n3A_551, %dma_start3A_552] : memref<25x8x128xi32, #tpu.memory_space<vmem>> -> memref<1x1x128xi32, #tpu.memory_space<vmem>>
        %dma_start3A_554 = tpu.memref_squeeze %dma_start3A_553 : memref<1x1x128xi32, #tpu.memory_space<vmem>> -> memref<128xi32, #tpu.memory_space<vmem>>
        %dma_start3A_555 = arith.constant 0 : i32
        %dma_start3A_556 = arith.constant 0 : i32
        %dma_start3A_557 = tpu.memref_slice %arg3[%dma_start3A_555, %dma_start3A_556] : memref<1000000x64xf32, #tpu.memory_space<hbm>> -> memref<1000000x64xf32, #tpu.memory_space<hbm>>
        tpu.enqueue_indirect_dma source(%dma_start3A_557 : memref<1000000x64xf32, #tpu.memory_space<hbm>>) target(%arg9 : memref<128x64xf32, #tpu.memory_space<vmem>>) offsets(%dma_start3A_554 : memref<128xi32, #tpu.memory_space<vmem>>) semaphore(%arg17 : memref<!tpu.dma_semaphore, #tpu.memory_space<semaphore_mem>>)
      } else {
      }
      %dma_start3A_492 = arith.constant 0 : i32
      %dma_start3A_493 = arith.constant 0 : i32
      %dma_start3A_494 = arith.constant 0 : i32
      %dma_start3A_495 = tpu.memref_slice %arg13[%dma_start3A_492, %dma_start3A_493, %dma_start3A_494] : memref<8x8x137xf32, #tpu.memory_space<vmem>> -> memref<8x8x128xf32, #tpu.memory_space<vmem>>
      %dma_start3A_496 = arith.constant 0 : i32
      %dma_start3A_497 = arith.constant 0 : i32
      %dma_start3A_498 = arith.constant 0 : i32
      %dma_start3A_499 = tpu.memref_slice %arg4[%add3A_470, %dma_start3A_496, %add3A, %dma_start3A_497, %dma_start3A_498] : memref<200x8x32x8x128xf32, #tpu.memory_space<hbm>> -> memref<1x8x1x8x128xf32, #tpu.memory_space<hbm>>
      %dma_start3A_500 = tpu.memref_squeeze %dma_start3A_499 : memref<1x8x1x8x128xf32, #tpu.memory_space<hbm>> -> memref<8x8x128xf32, #tpu.memory_space<hbm>>
      %dma_start3A_501 = arith.constant 0 : i32
      %dma_start3A_502 = arith.constant 0 : i32
      %dma_start3A_503 = arith.constant 0 : i32
      %dma_start3A_504 = tpu.memref_slice %arg4[%add3A_470, %dma_start3A_501, %add3A, %dma_start3A_502, %dma_start3A_503] : memref<200x8x32x8x128xf32, #tpu.memory_space<hbm>> -> memref<1x8x1x8x128xf32, #tpu.memory_space<hbm>>
      %dma_start3A_505 = tpu.memref_squeeze %dma_start3A_504 : memref<1x8x1x8x128xf32, #tpu.memory_space<hbm>> -> memref<8x8x128xf32, #tpu.memory_space<hbm>>
      %dma_start3A_506 = arith.constant 0 : i32
      %dma_start3A_507 = arith.constant 0 : i32
      %dma_start3A_508 = arith.constant 0 : i32
      %dma_start3A_509 = tpu.memref_slice %arg13[%dma_start3A_506, %dma_start3A_507, %dma_start3A_508] : memref<8x8x137xf32, #tpu.memory_space<vmem>> -> memref<8x8x128xf32, #tpu.memory_space<vmem>>
      tpu.enqueue_dma source(%dma_start3A_509 : memref<8x8x128xf32, #tpu.memory_space<vmem>>) target(%dma_start3A_505 : memref<8x8x128xf32, #tpu.memory_space<hbm>>) target_semaphore(%arg21 : memref<!tpu.dma_semaphore, #tpu.memory_space<semaphore_mem>>)
    }
    %scan3A_261 = arith.constant 50 : i32
    %dma_wait3A = arith.constant 196 : i32
    %dma_wait3A_262 = arith.constant 0 : i32
    %dma_wait3A_263 = arith.constant 0 : i32
    %dma_wait3A_264 = arith.constant 0 : i32
    %dma_wait3A_265 = tpu.memref_slice %arg10[%dma_wait3A_262, %dma_wait3A_263, %dma_wait3A_264] : memref<8x8x137xf32, #tpu.memory_space<vmem>> -> memref<8x8x128xf32, #tpu.memory_space<vmem>>
    %dma_wait3A_266 = arith.constant 0 : i32
    %dma_wait3A_267 = arith.constant 0 : i32
    %dma_wait3A_268 = arith.constant 0 : i32
    %dma_wait3A_269 = tpu.memref_slice %arg4[%dma_wait3A, %dma_wait3A_266, %add3A, %dma_wait3A_267, %dma_wait3A_268] : memref<200x8x32x8x128xf32, #tpu.memory_space<hbm>> -> memref<1x8x1x8x128xf32, #tpu.memory_space<hbm>>
    %dma_wait3A_270 = tpu.memref_squeeze %dma_wait3A_269 : memref<1x8x1x8x128xf32, #tpu.memory_space<hbm>> -> memref<8x8x128xf32, #tpu.memory_space<hbm>>
    %dma_wait3A_271 = arith.constant 0 : i32
    %dma_wait3A_272 = arith.constant 0 : i32
    %dma_wait3A_273 = arith.constant 0 : i32
    %dma_wait3A_274 = tpu.memref_slice %arg4[%dma_wait3A, %dma_wait3A_271, %add3A, %dma_wait3A_272, %dma_wait3A_273] : memref<200x8x32x8x128xf32, #tpu.memory_space<hbm>> -> memref<1x8x1x8x128xf32, #tpu.memory_space<hbm>>
    %dma_wait3A_275 = tpu.memref_squeeze %dma_wait3A_274 : memref<1x8x1x8x128xf32, #tpu.memory_space<hbm>> -> memref<8x8x128xf32, #tpu.memory_space<hbm>>
    %dma_wait3A_276 = arith.constant 0 : i32
    %dma_wait3A_277 = arith.constant 0 : i32
    %dma_wait3A_278 = arith.constant 0 : i32
    %dma_wait3A_279 = tpu.memref_slice %arg10[%dma_wait3A_276, %dma_wait3A_277, %dma_wait3A_278] : memref<8x8x137xf32, #tpu.memory_space<vmem>> -> memref<8x8x128xf32, #tpu.memory_space<vmem>>
    tpu.wait_dma2 semaphore(%arg18 : memref<!tpu.dma_semaphore, #tpu.memory_space<semaphore_mem>>) src(%dma_wait3A_279 : memref<8x8x128xf32, #tpu.memory_space<vmem>>) dst(%dma_wait3A_275 : memref<8x8x128xf32, #tpu.memory_space<hbm>>)
    %dma_wait3A_280 = arith.constant 197 : i32
    %dma_wait3A_281 = arith.constant 0 : i32
    %dma_wait3A_282 = arith.constant 0 : i32
    %dma_wait3A_283 = arith.constant 0 : i32
    %dma_wait3A_284 = tpu.memref_slice %arg11[%dma_wait3A_281, %dma_wait3A_282, %dma_wait3A_283] : memref<8x8x137xf32, #tpu.memory_space<vmem>> -> memref<8x8x128xf32, #tpu.memory_space<vmem>>
    %dma_wait3A_285 = arith.constant 0 : i32
    %dma_wait3A_286 = arith.constant 0 : i32
    %dma_wait3A_287 = arith.constant 0 : i32
    %dma_wait3A_288 = tpu.memref_slice %arg4[%dma_wait3A_280, %dma_wait3A_285, %add3A, %dma_wait3A_286, %dma_wait3A_287] : memref<200x8x32x8x128xf32, #tpu.memory_space<hbm>> -> memref<1x8x1x8x128xf32, #tpu.memory_space<hbm>>
    %dma_wait3A_289 = tpu.memref_squeeze %dma_wait3A_288 : memref<1x8x1x8x128xf32, #tpu.memory_space<hbm>> -> memref<8x8x128xf32, #tpu.memory_space<hbm>>
    %dma_wait3A_290 = arith.constant 0 : i32
    %dma_wait3A_291 = arith.constant 0 : i32
    %dma_wait3A_292 = arith.constant 0 : i32
    %dma_wait3A_293 = tpu.memref_slice %arg4[%dma_wait3A_280, %dma_wait3A_290, %add3A, %dma_wait3A_291, %dma_wait3A_292] : memref<200x8x32x8x128xf32, #tpu.memory_space<hbm>> -> memref<1x8x1x8x128xf32, #tpu.memory_space<hbm>>
    %dma_wait3A_294 = tpu.memref_squeeze %dma_wait3A_293 : memref<1x8x1x8x128xf32, #tpu.memory_space<hbm>> -> memref<8x8x128xf32, #tpu.memory_space<hbm>>
    %dma_wait3A_295 = arith.constant 0 : i32
    %dma_wait3A_296 = arith.constant 0 : i32
    %dma_wait3A_297 = arith.constant 0 : i32
    %dma_wait3A_298 = tpu.memref_slice %arg11[%dma_wait3A_295, %dma_wait3A_296, %dma_wait3A_297] : memref<8x8x137xf32, #tpu.memory_space<vmem>> -> memref<8x8x128xf32, #tpu.memory_space<vmem>>
    tpu.wait_dma2 semaphore(%arg19 : memref<!tpu.dma_semaphore, #tpu.memory_space<semaphore_mem>>) src(%dma_wait3A_298 : memref<8x8x128xf32, #tpu.memory_space<vmem>>) dst(%dma_wait3A_294 : memref<8x8x128xf32, #tpu.memory_space<hbm>>)
    %dma_wait3A_299 = arith.constant 198 : i32
    %dma_wait3A_300 = arith.constant 0 : i32
    %dma_wait3A_301 = arith.constant 0 : i32
    %dma_wait3A_302 = arith.constant 0 : i32
    %dma_wait3A_303 = tpu.memref_slice %arg12[%dma_wait3A_300, %dma_wait3A_301, %dma_wait3A_302] : memref<8x8x137xf32, #tpu.memory_space<vmem>> -> memref<8x8x128xf32, #tpu.memory_space<vmem>>
    %dma_wait3A_304 = arith.constant 0 : i32
    %dma_wait3A_305 = arith.constant 0 : i32
    %dma_wait3A_306 = arith.constant 0 : i32
    %dma_wait3A_307 = tpu.memref_slice %arg4[%dma_wait3A_299, %dma_wait3A_304, %add3A, %dma_wait3A_305, %dma_wait3A_306] : memref<200x8x32x8x128xf32, #tpu.memory_space<hbm>> -> memref<1x8x1x8x128xf32, #tpu.memory_space<hbm>>
    %dma_wait3A_308 = tpu.memref_squeeze %dma_wait3A_307 : memref<1x8x1x8x128xf32, #tpu.memory_space<hbm>> -> memref<8x8x128xf32, #tpu.memory_space<hbm>>
    %dma_wait3A_309 = arith.constant 0 : i32
    %dma_wait3A_310 = arith.constant 0 : i32
    %dma_wait3A_311 = arith.constant 0 : i32
    %dma_wait3A_312 = tpu.memref_slice %arg4[%dma_wait3A_299, %dma_wait3A_309, %add3A, %dma_wait3A_310, %dma_wait3A_311] : memref<200x8x32x8x128xf32, #tpu.memory_space<hbm>> -> memref<1x8x1x8x128xf32, #tpu.memory_space<hbm>>
    %dma_wait3A_313 = tpu.memref_squeeze %dma_wait3A_312 : memref<1x8x1x8x128xf32, #tpu.memory_space<hbm>> -> memref<8x8x128xf32, #tpu.memory_space<hbm>>
    %dma_wait3A_314 = arith.constant 0 : i32
    %dma_wait3A_315 = arith.constant 0 : i32
    %dma_wait3A_316 = arith.constant 0 : i32
    %dma_wait3A_317 = tpu.memref_slice %arg12[%dma_wait3A_314, %dma_wait3A_315, %dma_wait3A_316] : memref<8x8x137xf32, #tpu.memory_space<vmem>> -> memref<8x8x128xf32, #tpu.memory_space<vmem>>
    tpu.wait_dma2 semaphore(%arg20 : memref<!tpu.dma_semaphore, #tpu.memory_space<semaphore_mem>>) src(%dma_wait3A_317 : memref<8x8x128xf32, #tpu.memory_space<vmem>>) dst(%dma_wait3A_313 : memref<8x8x128xf32, #tpu.memory_space<hbm>>)
    %dma_wait3A_318 = arith.constant 199 : i32
    %dma_wait3A_319 = arith.constant 0 : i32
    %dma_wait3A_320 = arith.constant 0 : i32
    %dma_wait3A_321 = arith.constant 0 : i32
    %dma_wait3A_322 = tpu.memref_slice %arg13[%dma_wait3A_319, %dma_wait3A_320, %dma_wait3A_321] : memref<8x8x137xf32, #tpu.memory_space<vmem>> -> memref<8x8x128xf32, #tpu.memory_space<vmem>>
    %dma_wait3A_323 = arith.constant 0 : i32
    %dma_wait3A_324 = arith.constant 0 : i32
    %dma_wait3A_325 = arith.constant 0 : i32
    %dma_wait3A_326 = tpu.memref_slice %arg4[%dma_wait3A_318, %dma_wait3A_323, %add3A, %dma_wait3A_324, %dma_wait3A_325] : memref<200x8x32x8x128xf32, #tpu.memory_space<hbm>> -> memref<1x8x1x8x128xf32, #tpu.memory_space<hbm>>
    %dma_wait3A_327 = tpu.memref_squeeze %dma_wait3A_326 : memref<1x8x1x8x128xf32, #tpu.memory_space<hbm>> -> memref<8x8x128xf32, #tpu.memory_space<hbm>>
    %dma_wait3A_328 = arith.constant 0 : i32
    %dma_wait3A_329 = arith.constant 0 : i32
    %dma_wait3A_330 = arith.constant 0 : i32
    %dma_wait3A_331 = tpu.memref_slice %arg4[%dma_wait3A_318, %dma_wait3A_328, %add3A, %dma_wait3A_329, %dma_wait3A_330] : memref<200x8x32x8x128xf32, #tpu.memory_space<hbm>> -> memref<1x8x1x8x128xf32, #tpu.memory_space<hbm>>
    %dma_wait3A_332 = tpu.memref_squeeze %dma_wait3A_331 : memref<1x8x1x8x128xf32, #tpu.memory_space<hbm>> -> memref<8x8x128xf32, #tpu.memory_space<hbm>>
    %dma_wait3A_333 = arith.constant 0 : i32
    %dma_wait3A_334 = arith.constant 0 : i32
    %dma_wait3A_335 = arith.constant 0 : i32
    %dma_wait3A_336 = tpu.memref_slice %arg13[%dma_wait3A_333, %dma_wait3A_334, %dma_wait3A_335] : memref<8x8x137xf32, #tpu.memory_space<vmem>> -> memref<8x8x128xf32, #tpu.memory_space<vmem>>
    tpu.wait_dma2 semaphore(%arg21 : memref<!tpu.dma_semaphore, #tpu.memory_space<semaphore_mem>>) src(%dma_wait3A_336 : memref<8x8x128xf32, #tpu.memory_space<vmem>>) dst(%dma_wait3A_332 : memref<8x8x128xf32, #tpu.memory_space<hbm>>)
    return
  }
}

</mosaic_0001>

<sc_bundles>
// kernel: _embed.3.cloned.1.call-start
scs
__scs_entry_jumppad:
0x0: {  	(pc) =	sbr.rel $0x88, $3  }
0x1: {  	(tag) =	ssettag $0x0;
	lr =	simm.s32 $0x1  }
0x2: {  	[smem:$0x3F9F] =	sst lr;
	_ =	strace $0xD0000000  }
0x3: {  	_ = 	snop  }
0x4: {  	_ = 	snop  }
0x5: {  	_ = 	snop  }
0x6: {  	_ = 	snop  }
0x7: {  	_ = 	snop  }
__scs_overlays_trampoline_lowered:
0x8: {  	[smem:$0x3FAE] =	sst s0  }
0x9: {  	[smem:$0x3FAF] =	sst s1  }
0xa: {  	[smem:$0x3FB0] =	sst s2  }
0xb: {  	[smem:$0x3FB1] =	sst s3  }
0xc: {  	[smem:$0x3FB2] =	sst s4  }
0xd: {  	[smem:$0x3FB3] =	sst s5  }
0xe: {  	[smem:$0x3FB4] =	sst s6  }
0xf: {  	[smem:$0x3FB5] =	sst s7  }
0x10: {  	[smem:$0x3FB6] =	sst s8  }
0x11: {  	[smem:$0x3FB7] =	sst s9;
	s0 =	simm.s32 @!p0 $0x0  }
0x12: {  	s1 =	sld [smem:$0x3F9D];
	s0 =	simm.s32 @p0 $0x1  }
0x13: {  	[smem:$0x3FB8] =	sst s0;
	s0 =	simm.s32 @!p1 $0x0  }
0x14: {  	s2 =	sld [smem:$0x3F9C];
	s0 =	simm.s32 @p1 $0x1  }
0x15: {  	[smem:$0x3FB9] =	sst s0;
	s0 =	simm.s32 @!p2 $0x0  }
0x16: {  	s3 =	sld [smem:$0x3FDB];
	s0 =	simm.s32 @p2 $0x1  }
0x17: {  	s4 =	simm.s32 $0x1BF5;
	[smem:$0x3FBB] =	sst s0  }
0x18: {  	s0 =	sld [smem:$0x3F9E];
	_ =	swait.ge [sflag:s4], $0x0  }
0x19: {  	s7 =	sld [smem:$0x3F9F]  }
0x1a: {  	s8 =	sadd.s32 $0xFFFFE003, lr  }
0x1b: {  	s9 =	sadd.s32 $0xFFFFFEF7, lr;
	s5 =	simm.s32 $0xFFFFFFFF;
	p2 =	slt.u32 s8, $0xFFFFF086  }
0x1c: {  	p1 =	slt.u32 s9, $0xF7A;
	s5 =	simm.s32 @!p2 $0x0  }
0x1d: {  	s5 =	simm.s32 @p1 $0x1;
	p0 =	seq.s32 s7, s2  }
0x1e: {  	s7 =	smul.u32 @!p0 $0xF7A, s2;
	p2 =	seq.s32 @!p0 s5, $0x0  }
0x1f: {  	s9 =	smul.u32 $0xF7A, s1;
	s8 =	simm.s32 @!p0 $0x1BF5;
	p2 =	por !p2, p0  }
0x20: {  	[sflag:s8] =	ssyncset.s32 @!p0 $0xFFFFF086;
	s6 =	sadd.s32 @!p0 s3, s7;
	s7 =	simm.s32 @!p0 $0x108  }
0x21: {  	s3 =	sadd.s32 s3, s9;
	s6 =	sadd.s32 @!p0 $0x88, s6;
	s7 =	simm.s32 @p2 $0x1082  }
0x22: {  	[simem:s7], [sflag:s8] =	dma.local @!p0 [hbm:s6], $0xF7A  }
0x23: {  	s9 =	sor.u32 $0xD0000000, s2;
	s6 =	simm.s32 $0x108;
	_ =	swait.ge @!p0 [sflag:s8], $0x0  }
0x24: {  	s3 =	sadd.s32 $0x88, s3;
	s6 =	simm.s32 @!p1 $0x1082;
	[sflag:s4] =	ssyncset.s32 $0xFFFFF086  }
0x25: {  	[simem:s6], [sflag:s4] =	dma.local [hbm:s3], $0xF7A  }
0x26: {  	[smem:$0x3F9F] =	sst s1;
	(tag) =	ssettag s2;
	_ =	strace s9  }
0x27: {  	s1 =	sld [smem:$0x3FAF]  }
0x28: {  	s2 =	sld [smem:$0x3FB0]  }
0x29: {  	s4 =	sld [smem:$0x3FB2]  }
0x2a: {  	p0 =	seq.s32 s5, $0x0;
	s5 =	sld [smem:$0x3FB3]  }
0x2b: {  	s6 =	sld [smem:$0x3FB4]  }
0x2c: {  	s7 =	sld [smem:$0x3FB5]  }
0x2d: {  	s3 =	simm.s32 $0x108;
	s8 =	sld [smem:$0x3FB6]  }
0x2e: {  	s3 =	simm.s32 @!p0 $0x1082;
	s9 =	sld [smem:$0x3FB7]  }
0x2f: {  	lr =	sadd.s32 s0, s3;
	s0 =	sld [smem:$0x3FAE]  }
0x30: {  	s3 =	sld [smem:$0x3FB1]  }
0x31: {  	[smem:$0x3FBA] =	sst s10  }
0x32: {  	s10 =	sld [smem:$0x3FB8];
	_ =	sdelay $0x3  }
0x33: {  	p0 =	seq.s32 s10, $0x1;
	s10 =	sld [smem:$0x3FBA];
	_ =	sdelay $0x3  }
0x34: {  	[smem:$0x3FBA] =	sst s10  }
0x35: {  	s10 =	sld [smem:$0x3FB9];
	_ =	sdelay $0x3  }
0x36: {  	p1 =	seq.s32 s10, $0x1;
	s10 =	sld [smem:$0x3FBA];
	_ =	sdelay $0x3  }
0x37: {  	[smem:$0x3FBA] =	sst s10  }
0x38: {  	s10 =	sld [smem:$0x3FBB]  }
0x39: {  	_ = 	snop;
	(pc) =	sbr.ind lr, $3  }
0x3a: {  	_ = 	snop  }
0x3b: {  	_ = 	snop  }
0x3c: {  	p2 =	seq.s32 s10, $0x1;
	s10 =	sld [smem:$0x3FBA]  }
0x3d: {  	_ =	shalt  }
0x3e: {  	_ =	shalt  }
0x3f: {  	_ =	shalt  }
0x40: {  	_ =	shalt  }
0x41: {  	_ =	shalt  }
0x42: {  	_ =	shalt  }
0x43: {  	_ =	shalt  }
0x44: {  	_ =	shalt  }
0x45: {  	_ =	shalt  }
0x46: {  	_ =	shalt  }
0x47: {  	_ =	shalt  }
0x48: {  	_ =	shalt  }
0x49: {  	_ =	shalt  }
0x4a: {  	_ =	shalt  }
0x4b: {  	_ =	shalt  }
0x4c: {  	_ =	shalt  }
0x4d: {  	_ =	shalt  }
0x4e: {  	_ =	shalt  }
0x4f: {  	_ =	shalt  }
0x50: {  	_ =	shalt  }
0x51: {  	_ =	shalt  }
0x52: {  	_ =	shalt  }
0x53: {  	_ =	shalt  }
0x54: {  	_ =	shalt  }
0x55: {  	_ =	shalt  }
0x56: {  	_ =	shalt  }
0x57: {  	_ =	shalt  }
0x58: {  	_ =	shalt  }
0x59: {  	_ =	shalt  }
0x5a: {  	_ =	shalt  }
0x5b: {  	_ =	shalt  }
0x5c: {  	_ =	shalt  }
0x5d: {  	_ =	shalt  }
0x5e: {  	_ =	shalt  }
0x5f: {  	_ =	shalt  }
0x60: {  	_ =	shalt  }
0x61: {  	_ =	shalt  }
0x62: {  	_ =	shalt  }
0x63: {  	_ =	shalt  }
0x64: {  	_ =	shalt  }
0x65: {  	_ =	shalt  }
0x66: {  	_ =	shalt  }
0x67: {  	_ =	shalt  }
0x68: {  	_ =	shalt  }
0x69: {  	_ =	shalt  }
0x6a: {  	_ =	shalt  }
0x6b: {  	_ =	shalt  }
0x6c: {  	_ =	shalt  }
0x6d: {  	_ =	shalt  }
0x6e: {  	_ =	shalt  }
0x6f: {  	_ =	shalt  }
0x70: {  	_ =	shalt  }
0x71: {  	_ =	shalt  }
0x72: {  	_ =	shalt  }
0x73: {  	_ =	shalt  }
0x74: {  	_ =	shalt  }
0x75: {  	_ =	shalt  }
0x76: {  	_ =	shalt  }
0x77: {  	_ =	shalt  }
0x78: {  	_ =	shalt  }
0x79: {  	_ =	shalt  }
0x7a: {  	_ =	shalt  }
0x7b: {  	_ =	shalt  }
0x7c: {  	_ =	shalt  }
0x7d: {  	_ =	shalt  }
0x7e: {  	_ =	shalt  }
0x7f: {  	_ =	shalt  }
0x80: {  	_ =	shalt  }
0x81: {  	_ =	shalt  }
0x82: {  	_ =	shalt  }
0x83: {  	_ =	shalt  }
0x84: {  	_ =	shalt  }
0x85: {  	_ =	shalt  }
0x86: {  	_ =	shalt  }
0x87: {  	_ =	shalt  }
.Lfunc_end0:
.L_simem_size_0:
called_computation_lowered:
.L_overlay_start_0:
0x88: {  	s2 =	sld [smem:$0x3FD9]  }
0x89: {  	s3 =	sld [smem:$0x3FFE];
	_ =	sdelay $0x1  }
0x8a: {  	s1 =	srdreg.scid  }
0x8b: {  	s0 =	sand.u32 $0x1, s1  }
0x8c: {  	s17 =	sshll.u32 s0, $0xA;
	s2 =	sadd.s32 s3, s2  }
0x8d: {  	s2 =	sadd.s32 s2, s17  }
0x8e: {  	[smem:$0x3FC6] =	sst s2  }
0x8f: {  	_ = 	snop  }
0x90: {  	s2 =	sld [smem:$0x3FC9]  }
0x91: {  	s18 =	sld [smem:$0x3FD0];
	(tm) =	ssettm $0x1  }
0x92: {  	s4 =	sld [smem:$0x3FFB];
	_ =	sdelay $0x3  }
0x93: {  	_ =	strace s4  }
0x94: {  	s4 =	sld [smem:$0x3FFC];
	_ =	sdelay $0x3  }
0x95: {  	_ =	strace s4  }
0x96: {  	s4 =	sld [smem:$0x3FFD];
	_ =	sdelay $0x3  }
0x97: {  	_ =	strace s4  }
0x98: {  	_ =	strace $0x8FFFFFFF  }
0x99: {  	s19 =	sld [smem:$0x3FDB];
	_ =	sdelay $0x1  }
0x9a: {  	s5 =	simm.s32 $_scs_section_size  }
0x9b: {  	s6 =	simm.s32 $_size__tile_overlayer_lowered;
	s7 =	simm.s32 $_tile_overlayer_lowered  }
0x9c: {  	s22 =	simm.s32 $0x1BFF;
	s21 =	sshll.u32 s7, $0x1;
	s4 =	sadd.s32 s5, s19  }
0x9d: {  	s8 =	simm.s32 $0x0;
	s20 =	sshll.u32 s6, $0x1;
	s6 =	sadd.s32 s21, s4  }
0x9e: {  	[timem:s8], [sflag:s22] =	dma.local [hbm:s6], s20  }
0x9f: {  	_ =	swait.ge [sflag:s22], s20  }
0xa0: {  	s5 =	ssub.s32 $0x0, s20;
	[sflag:s22] =	ssyncset.done $0x0  }
0xa1: {  	[sflag:s22] =	ssyncadd.s32 s5;
	_ =	sdelay $0x1  }
0xa2: {  	s23 =	simm.s32 $0x1B8B  }
0xa3: {  	_ =	swait.ge [sflag:s23], $0x1  }
0xa4: {  	[sflag:s23] =	ssyncset.done $0x0  }
0xa5: {  	s25 =	simm.s32 $0x1B8E;
	s24 =	sld [smem:$0x3FFE];
	[sflag:s23] =	ssyncadd.s32 $0xFFFFFFFF  }
0xa6: {  	s26 =	simm.s32 $execute0_lowered;
	[smem:$0x3FD2] =	sst s25  }
0xa7: {  	s6 =	sshll.u32 s26, $0x1;
	_ =	strace $0x80000046;
	[dreg:$0x1] =	wrdreg $0xFFFFFFFF  }
0xa8: {  	s28 =	simm.s32 $_size_execute0_lowered;
	s4 =	sadd.s32 s4, s6;
	[dreg:$0x0] =	wrdreg $0x0  }
0xa9: {  	s6 =	sshll.u32 s28, $0x1;
	[dreg:$0x2] =	wrdreg s4  }
0xaa: {  	[dreg:$0x3] =	wrdreg s6  }
0xab: {  	[dreg:$0x4] =	wrdreg $0xC0  }
0xac: {  	_ =	task [dreg:s8], $0x5FFFF  }
0xad: {  	[dreg:$0x1] =	wrdreg $0xFFFFFFFF  }
0xae: {  	[dreg:$0x0] =	wrdreg $0x60  }
0xaf: {  	[dreg:$0x2] =	wrdreg s2  }
0xb0: {  	[dreg:$0x3] =	wrdreg s24  }
0xb1: {  	[dreg:$0x4] =	wrdreg s18  }
0xb2: {  	[dreg:$0x5] =	wrdreg $0x9  }
0xb3: {  	_ =	task.clear_ibuf [dreg:s8], $0x6FFFF;
	_ =	strace $0x90000046  }
0xb4: {  	s29 =	simm.s32 $0x9;
	_ =	strace $0x80000048  }
0xb5: {  	_ =	swait.ge [sflag:s29], $0x1  }
0xb6: {  	[sflag:s29] =	ssyncadd.s32 $0xFFFFFFFF  }
0xb7: {  	_ =	strace $0x90000048  }
0xb8: {  	_ =	sfence  }
0xb9: {  	s30 =	sld [smem:$0x0];
	_ =	sdelay $0x2  }
0xba: {  	s31 =	sshll.u32 s1, $0xD;
	s1 =	sshrl.u32 s1, $0x2  }
0xbb: {  	s3 =	sand.u32 $0x4000, s31;
	s1 =	sadd.s32 s1, s30  }
0xbc: {  	s0 =	sor.u32 s3, s0;
	s1 =	sshll.u32 s1, $0x11  }
0xbd: {  	s0 =	sor.u32 s1, s0  }
0xbe: {  	s0 =	sadd.s32 $0x8F2B, s0  }
0xbf: {  	[sflag:s0] =	ssyncadd.remote.s32 $0x1  }
0xc0: {  	_ =	sfence.sel $0xFFFF  }
0xc1: {  	[dreg:$0x0] =	wrdreg $0xFFFFFFFF;
	(pc) =	sbr.abs _section_cstart, $3  }
0xc2: {  	[dreg:$0x1] =	wrdreg $0xFFFFFFFF  }
0xc3: {  	_ =	task.clear_ibuf [dreg:s8], $0x2FFFF;
	_ =	strace $0x9FFFFFFF  }
0xc4: {  	(tm) =	ssettm $0x7FFFFFFF  }
0xc5: {  	_ =	shalt  }
tec
execute0_lowered:
.L_overlay_start_1:
0x0: {  	(tag) =	ssettag $0x1  }
0x1: {  	s0 =	rddreg [dreg:$0x0]  }
0x2: {  	s1 =	rddreg [dreg:$0x1]  }
0x3: {  	s2 =	rddreg [dreg:$0x2]  }
0x4: {  	s3 =	srdreg.scid;
	s5 =	stileid.u32;
	s13 =	simm.s32 $0x9  }
0x5: {  	s14 =	simm.s32 $0x80;
	s21 =	simm.s32 $0x1;
	s22 =	simm.s32 $0xE400  }
0x6: {  	s23 =	simm.s32 $0x2;
	s28 =	simm.s32 $0x4;
	s29 =	simm.s32 $0x15000  }
0x7: {  	s30 =	simm.s32 $0x5;
	s31 =	simm.s32 $0x6;
	s11 =	simm.s32 $0x0  }
0x8: {  	s4 =	sand.u32 $0x1, s3;
	s3 =	simm.s32 $0x0;
	s5 =	sshll.u32 s5, $0xB  }
0x9: {  	s9 =	sadd.s32 $0x18000, s2;
	s6 =	sshll.u32 s4, $0xA;
	[smem:$0x7FF] =	sst s3  }
0xa: {  	s7 =	ssub.s32 $0x2, s4;
	s4 =	sor.u32 s6, s5;
	_ =	strace $0x80000047  }
0xb: {  	s24 =	sshrl.u32 s7, $0x1;
	s5 =	sadd.s32 $0xF42800, s1;
	s1 =	simm.s32 $0x8  }
0xc: {  	v0 =	vlaneseq.u32;
	s8 =	sshrl.u32 s4, $0x3;
	s25 =	ssub.s32 s7, s24;
	s7 =	sadd.s32 $0x8000, s2  }
0xd: {  	v0 =	vmul.u32 $0x90, v0;
	s24 =	simm.s32 $0x10800;
	s0 =	sadd.s32 s0, s8;
	s8 =	sadd.s32 $0x10000, s2  }
0xe: {  	s26 =	smax.u32 s25, $0x1;
	s25 =	simm.s32 $0x3;
	[dreg:$0x4] =	wrdreg s0  }
0xf: {  	v1 =	vadd.s32 $0x900, v0;
	v2 =	vadd.s32 $0x1200, v0;
	v3 =	vadd.s32 $0x1B00, v0;
	[dreg:$0x5] =	wrdreg s26;
	s26 =	simm.s32 $0x12C00;
	s0 =	simm.s32 $0x7  }
.LBB2_1:
0x10: {  	s6 =	rddreg [dreg:$0x4];
	s10 =	simm.s32 $0x400;
	s12 =	simm.s32 $0x8000  }
0x11: {  	[tilespmem:s3], [sflag:$0x9] =	stream.strided.gather [hbm4b:s6+s10], $0x6400, s12, s10, $0x38;
	[tilespmem:$0x17400] =	vst v63  }
0x12: {  	_ =	swait.ge [sflag:s13], $0x6400  }
0x13: {  	[sflag:s13] =	ssyncset.done $0x0  }
0x14: {  	s15 =	simm.s32 $0x6400;
	[sflag:s13] =	ssyncadd.s32 $0xFFFF9C00  }
0x15: {  	[tilespmem:s15], [sflag:$0x1] =	stream.indirect.gather [hbm4b:s5+s14], $0x40, s3, s14, $0xb8;
	[tilespmem:$0x17400] =	vst v63  }
0x16: {  	s16 =	simm.s32 $0x8400  }
0x17: {  	[tilespmem:s16], [sflag:$0x2] =	stream.indirect.gather [hbm4b:s5+s14], $0x40, s14, s14, $0xb8;
	[tilespmem:$0x17400] =	vst v63  }
0x18: {  	s17 =	simm.s32 $0x100;
	s18 =	simm.s32 $0xA400  }
0x19: {  	[tilespmem:s18], [sflag:$0x3] =	stream.indirect.gather [hbm4b:s5+s14], $0x40, s17, s14, $0xb8;
	[tilespmem:$0x17400] =	vst v63  }
0x1a: {  	s19 =	simm.s32 $0x180;
	s20 =	simm.s32 $0xC400;
	s12 =	simm.s32 $0x0  }
0x1b: {  	[tilespmem:s20], [sflag:$0x4] =	stream.indirect.gather [hbm4b:s5+s14], $0x40, s19, s14, $0xb8;
	[tilespmem:$0x17400] =	vst v63  }
.LBB2_2:
0x1c: {  	_ =	swait.ge [sflag:s21], $0x2000  }
0x1d: {  	p1 =	seq.s32 s12, $0x0;
	[sflag:s21] =	ssyncset.done $0x0  }
0x1e: {  	s6 =	simm.s32 @!p1 $0x5;
	[sflag:s21] =	ssyncadd.s32 $0xFFFFE000  }
0x1f: {  	_ =	swait.ge @!p1 [sflag:s6], $0x2000  }
0x20: {  	[sflag:s6] =	ssyncset.done @!p1 $0x0  }
0x21: {  	s16 =	simm.s32 $0x0;
	s10 =	simm.s32 $0x6420;
	[sflag:s6] =	ssyncadd.s32 @!p1 $0xFFFFE000  }
0x22: {  	v4 =	vmov s16;
	v5 =	vld [tilespmem:s10+$0xFFFFFFE0]  }
0x23: {  	v8 =	vand.u32 $0x7F, v4  }
0x24: {  	v6 =	vadd.s32 v0, v8;
	_ =	sdelay $0x1  }
0x25: {  	s17 =	simm.s32 $0x1;
	s15 =	simm.s32 $0x6460  }
0x26: {  	v4 =	vmov s17;
	v7 =	vld [tilespmem:s15+$0xFFFFFFE0];
	v5 =	vmul.f32 $8.000000000e+00, v5  }
0x27: {  	v4 =	vand.u32 $0x7F, v4  }
0x28: {  	v9 =	vadd.s32 v0, v4;
	[tilespmem:v6+s22+$0x0] =	vst.idx.msk $0xffff, v5  }
0x29: {  	v6 =	vld [tilespmem:s10+$0xFFFFFFF0];
	_ =	sdelay $0x1  }
0x2a: {  	s18 =	simm.s32 $0x2;
	s16 =	simm.s32 $0x64A0;
	v10 =	vadd.s32 v1, v8;
	v7 =	vmul.f32 $8.000000000e+00, v7  }
0x2b: {  	v11 =	vld [tilespmem:s16+$0xFFFFFFE0];
	v5 =	vmov s18  }
0x2c: {  	[tilespmem:v9+s22+$0x0] =	vst.idx.msk $0xffff, v7;
	v5 =	vand.u32 $0x7F, v5  }
0x2d: {  	v9 =	vld [tilespmem:s15+$0xFFFFFFF0];
	v7 =	vadd.s32 v0, v5;
	v6 =	vmul.f32 $8.000000000e+00, v6;
	_ =	sdelay $0x1  }
0x2e: {  	[tilespmem:v10+s22+$0x0] =	vst.idx.msk $0xffff, v6  }
0x2f: {  	s19 =	simm.s32 $0x3;
	s17 =	simm.s32 $0x64E0;
	v12 =	vadd.s32 v1, v4;
	v6 =	vmul.f32 $8.000000000e+00, v11;
	v10 =	vld [tilespmem:s10+$0x0]  }
0x30: {  	v13 =	vld [tilespmem:s17+$0xFFFFFFE0];
	v11 =	vmov s19  }
0x31: {  	[tilespmem:v7+s22+$0x0] =	vst.idx.msk $0xffff, v6;
	v7 =	vmul.f32 $8.000000000e+00, v9;
	v6 =	vand.u32 $0x7F, v11;
	v9 =	vadd.s32 v2, v8  }
0x32: {  	v14 =	vadd.s32 v0, v6  }
0x33: {  	v11 =	vld [tilespmem:s16+$0xFFFFFFF0]  }
0x34: {  	[tilespmem:v12+s22+$0x0] =	vst.idx.msk $0xffff, v7;
	v7 =	vmul.f32 $8.000000000e+00, v10  }
0x35: {  	s20 =	simm.s32 $0x4;
	v15 =	vadd.s32 v1, v5;
	s19 =	simm.s32 $0x6520;
	v16 =	vld [tilespmem:s15+$0x0];
	v10 =	vmul.f32 $8.000000000e+00, v13  }
0x36: {  	v17 =	vld [tilespmem:s19+$0xFFFFFFE0];
	v12 =	vmov s20;
	[tilespmem:v9+s22+$0x0] =	vst.idx.msk $0xffff, v7  }
0x37: {  	v7 =	vand.u32 $0x7F, v12;
	[tilespmem:v14+s22+$0x0] =	vst.idx.msk $0xffff, v10;
	v10 =	vadd.s32 v2, v4;
	v9 =	vld [tilespmem:s10+$0x10]  }
0x38: {  	v11 =	vmul.f32 $8.000000000e+00, v11;
	v12 =	vadd.s32 v0, v7  }
0x39: {  	v8 =	vadd.s32 v3, v8;
	v13 =	vld [tilespmem:s17+$0xFFFFFFF0]  }
0x3a: {  	[tilespmem:v15+s22+$0x0] =	vst.idx.msk $0xffff, v11;
	v15 =	vmul.f32 $8.000000000e+00, v16  }
0x3b: {  	s6 =	simm.s32 $0x6560;
	s18 =	sshll.u32 s12, $0x2;
	s20 =	simm.s32 $0x5;
	v14 =	vadd.s32 v1, v6;
	v16 =	vmul.f32 $8.000000000e+00, v17;
	v11 =	vld [tilespmem:s16+$0x0]  }
.LBB2_3:
0x3c: {  	v17 =	vmov s20;
	v18 =	vld [tilespmem:s6+$0xFFFFFFE0];
	[tilespmem:v10+s22+$0x0] =	vst.idx.msk $0xffff, v15;
	v15 =	vmul.f32 $8.000000000e+00, v9;
	p0 =	sne.s32 s20, $0x7F  }
.Ltmp0:
0x3d: {  	s20 =	sadd.s32 $0x1, s20;
	v10 =	vadd.s32 v2, v5;
	v17 =	vand.u32 $0x7F, v17;
	[tilespmem:v12+s22+$0x0] =	vst.idx.msk $0xffff, v16;
	v9 =	vld [tilespmem:s15+$0x10];
	(pc) =	sbr.rel @p0 .LBB2_3-.Ltmp0, $4  }
0x3e: {  	s15 =	smov.u32 s16;
	s16 =	smov.u32 s17;
	s17 =	smov.u32 s19;
	v12 =	vadd.s32 v0, v17;
	v16 =	vmul.f32 $8.000000000e+00, v13;
	[tilespmem:v8+s22+$0x0] =	vst.idx.msk $0xffff, v15  }
0x3f: {  	s19 =	smov.u32 s6;
	v8 =	vadd.s32 v3, v4;
	v4 =	vmovc v5;
	v5 =	vmovc v6;
	v6 =	vmov v7;
	v7 =	vmov v17;
	v13 =	vld [tilespmem:s17+$0xFFFFFFF0]  }
0x40: {  	[tilespmem:v14+s22+$0x0] =	vst.idx.msk $0xffff, v16;
	v15 =	vmul.f32 $8.000000000e+00, v11  }
0x41: {  	s6 =	sadd.s32 $0x40, s6;
	v14 =	vadd.s32 v1, v6;
	v16 =	vmul.f32 $8.000000000e+00, v18;
	v11 =	vld [tilespmem:s16+$0x0]  }
0x42: {  	_ =	sdelay $0x3  }
0x43: {  	[tilespmem:v12+s22+$0x0] =	vst.idx.msk $0xffff, v16  }
0x44: {  	v12 =	vld [tilespmem:s19+$0xFFFFFFF0];
	_ =	sdelay $0x1  }
0x45: {  	v54 =	vadd.s32 v1, v7;
	_ =	sdelay $0x1  }
0x46: {  	v13 =	vmul.f32 $8.000000000e+00, v13  }
0x47: {  	v12 =	vmul.f32 $8.000000000e+00, v12  }
0x48: {  	[tilespmem:v14+s22+$0x0] =	vst.idx.msk $0xffff, v13  }
0x49: {  	v13 =	vld [tilespmem:s17+$0x0];
	[tilespmem:v54+s22+$0x0] =	vst.idx.msk $0xffff, v12  }
0x4a: {  	v55 =	vadd.s32 v2, v5;
	v56 =	vld [tilespmem:s19+$0x0]  }
0x4b: {  	v57 =	vadd.s32 v2, v6  }
0x4c: {  	v17 =	vadd.s32 v2, v7  }
0x4d: {  	v11 =	vmul.f32 $8.000000000e+00, v11  }
0x4e: {  	[tilespmem:v10+s22+$0x0] =	vst.idx.msk $0xffff, v15;
	v58 =	vmul.f32 $8.000000000e+00, v13  }
0x4f: {  	v59 =	vld [tilespmem:s15+$0x10];
	[tilespmem:v55+s22+$0x0] =	vst.idx.msk $0xffff, v11;
	v60 =	vmul.f32 $8.000000000e+00, v56  }
0x50: {  	v12 =	vld [tilespmem:s16+$0x10];
	[tilespmem:v57+s22+$0x0] =	vst.idx.msk $0xffff, v58  }
0x51: {  	v4 =	vadd.s32 v3, v4;
	v10 =	vld [tilespmem:s17+$0x10];
	[tilespmem:v17+s22+$0x0] =	vst.idx.msk $0xffff, v60  }
0x52: {  	v5 =	vadd.s32 v3, v5;
	v11 =	vld [tilespmem:s19+$0x10]  }
0x53: {  	v9 =	vmul.f32 $8.000000000e+00, v9;
	v61 =	vadd.s32 v3, v6  }
0x54: {  	v62 =	vadd.s32 v3, v7;
	v13 =	vmul.f32 $8.000000000e+00, v59  }
0x55: {  	[tilespmem:v8+s22+$0x0] =	vst.idx.msk $0xffff, v9;
	v63 =	vmul.f32 $8.000000000e+00, v12  }
0x56: {  	p0 =	seq.s32 s12, $0x31;
	[tilespmem:v4+s22+$0x0] =	vst.idx.msk $0xffff, v13;
	v4 =	vmul.f32 $8.000000000e+00, v10  }
0x57: {  	s15 =	sshll.u32 @!p0 s18, $0x7;
	[tilespmem:v5+s22+$0x0] =	vst.idx.msk $0xffff, v63;
	v5 =	vmul.f32 $8.000000000e+00, v11  }
0x58: {  	s10 =	simm.s32 @!p0 $0x80;
	s6 =	sadd.s32 @!p0 $0x200, s15;
	[tilespmem:v61+s22+$0x0] =	vst.idx.msk $0xffff, v4  }
0x59: {  	s6 =	sand.u32 @!p0 $0xFE00, s6;
	s16 =	simm.s32 @!p0 $0x6400;
	s19 =	sshll.u32 s12, $0x14;
	[tilespmem:v62+s22+$0x0] =	vst.idx.msk $0xffff, v5  }
0x5a: {  	[tilespmem:s16], [sflag:$0x1] =	stream.indirect.gather @!p0 [hbm4b:s5+s10], $0x40, s6, s10, $0xb8;
	[tilespmem:$0x17400] =	vst v63  }
0x5b: {  	s6 =	sor.u32 s4, s19  }
0x5c: {  	s16 =	sshrl.u32 s6, $0x3  }
0x5d: {  	s20 =	simm.s32 $0xE400;
	s18 =	sadd.s32 s2, s16  }
0x5e: {  	[hbm4b:s18+s3] =	stream.linear.scatter [tilespmem:s20], [sflag:$0x5], $0x80, $0x38;
	[tilespmem:$0x17400] =	vst v63  }
0x5f: {  	s10 =	simm.s32 $0xE490;
	s17 =	sadd.s32 $0x10, s18  }
0x60: {  	[hbm4b:s17+s3] =	stream.linear.scatter [tilespmem:s10], [sflag:$0x5], $0x80, $0x38;
	[tilespmem:$0x17400] =	vst v63  }
0x61: {  	s19 =	simm.s32 $0xE520;
	s20 =	sadd.s32 $0x20, s18  }
0x62: {  	[hbm4b:s20+s3] =	stream.linear.scatter [tilespmem:s19], [sflag:$0x5], $0x80, $0x38;
	[tilespmem:$0x17400] =	vst v63  }
0x63: {  	s10 =	simm.s32 $0xE5B0;
	s17 =	sadd.s32 $0x30, s18  }
0x64: {  	[hbm4b:s17+s3] =	stream.linear.scatter [tilespmem:s10], [sflag:$0x5], $0x80, $0x38;
	[tilespmem:$0x17400] =	vst v63  }
0x65: {  	s19 =	simm.s32 $0xE640;
	s20 =	sadd.s32 $0x40, s18  }
0x66: {  	[hbm4b:s20+s3] =	stream.linear.scatter [tilespmem:s19], [sflag:$0x5], $0x80, $0x38;
	[tilespmem:$0x17400] =	vst v63  }
0x67: {  	s6 =	simm.s32 $0x2400;
	s10 =	simm.s32 $0xE6D0;
	s17 =	sadd.s32 $0x50, s18  }
0x68: {  	[hbm4b:s17+s3] =	stream.linear.scatter [tilespmem:s10], [sflag:$0x5], $0x80, $0x38;
	[tilespmem:$0x17400] =	vst v63  }
0x69: {  	s19 =	simm.s32 $0xE760;
	s20 =	sadd.s32 $0x60, s18;
	s17 =	simm.s32 $0x480  }
0x6a: {  	[hbm4b:s20+s3] =	stream.linear.scatter [tilespmem:s19], [sflag:$0x5], $0x80, $0x38;
	[tilespmem:$0x17400] =	vst v63  }
0x6b: {  	s10 =	simm.s32 $0xE7F0;
	s19 =	sadd.s32 $0x70, s18;
	s18 =	sadd.s32 $0x1000, s18  }
.LBB2_5:
0x6c: {  	[hbm4b:s19+s3] =	stream.linear.scatter [tilespmem:s10], [sflag:$0x5], $0x80, $0x38;
	[tilespmem:$0x17400] =	vst v63  }
0x6d: {  	s10 =	smov.u32 s17;
	s17 =	smov.u32 s6  }
0x6e: {  	s20 =	sadd.s32 $0x1200, s6;
	s17 =	sshra.s32 s17, $0x2;
	s19 =	sadd.s32 $0xE400, s10  }
0x6f: {  	[hbm4b:s18+s3] =	stream.linear.scatter [tilespmem:s19], [sflag:$0x5], $0x80, $0x38;
	[tilespmem:$0x17400] =	vst v63  }
0x70: {  	p2 =	sne.s32 s6, $0x7E00;
	s6 =	sadd.s32 $0xE490, s10;
	s19 =	sadd.s32 $0x10, s18  }
0x71: {  	[hbm4b:s19+s3] =	stream.linear.scatter [tilespmem:s6], [sflag:$0x5], $0x80, $0x38;
	[tilespmem:$0x17400] =	vst v63  }
0x72: {  	s6 =	sadd.s32 $0xE520, s10;
	s19 =	sadd.s32 $0x20, s18  }
0x73: {  	[hbm4b:s19+s3] =	stream.linear.scatter [tilespmem:s6], [sflag:$0x5], $0x80, $0x38;
	[tilespmem:$0x17400] =	vst v63  }
0x74: {  	s6 =	sadd.s32 $0xE5B0, s10;
	s19 =	sadd.s32 $0x30, s18  }
0x75: {  	[hbm4b:s19+s3] =	stream.linear.scatter [tilespmem:s6], [sflag:$0x5], $0x80, $0x38;
	[tilespmem:$0x17400] =	vst v63  }
0x76: {  	s6 =	sadd.s32 $0xE640, s10;
	s19 =	sadd.s32 $0x40, s18  }
0x77: {  	[hbm4b:s19+s3] =	stream.linear.scatter [tilespmem:s6], [sflag:$0x5], $0x80, $0x38;
	[tilespmem:$0x17400] =	vst v63  }
.Ltmp1:
0x78: {  	s6 =	sadd.s32 $0xE6D0, s10;
	s19 =	sadd.s32 $0x50, s18;
	(pc) =	sbr.rel @p2 .LBB2_5-.Ltmp1, $4  }
0x79: {  	[hbm4b:s19+s3] =	stream.linear.scatter [tilespmem:s6], [sflag:$0x5], $0x80, $0x38;
	[tilespmem:$0x17400] =	vst v63  }
0x7a: {  	s6 =	sadd.s32 $0xE760, s10;
	s19 =	sadd.s32 $0x60, s18;
	s10 =	sadd.s32 $0xE7F0, s10  }
0x7b: {  	[hbm4b:s19+s3] =	stream.linear.scatter [tilespmem:s6], [sflag:$0x5], $0x80, $0x38;
	[tilespmem:$0x17400] =	vst v63  }
0x7c: {  	s19 =	sadd.s32 $0x70, s18;
	s18 =	sadd.s32 $0x1000, s18;
	s6 =	smov.u32 s20  }
0x7d: {  	[hbm4b:s19+s3] =	stream.linear.scatter [tilespmem:s10], [sflag:$0x5], $0x80, $0x38;
	[tilespmem:$0x17400] =	vst v63  }
0x7e: {  	s6 =	sadd.s32 $0xE400, s17  }
0x7f: {  	[hbm4b:s18+s3] =	stream.linear.scatter [tilespmem:s6], [sflag:$0x5], $0x80, $0x38;
	[tilespmem:$0x17400] =	vst v63  }
0x80: {  	s19 =	sadd.s32 $0xE490, s17;
	s20 =	sadd.s32 $0x10, s18  }
0x81: {  	[hbm4b:s20+s3] =	stream.linear.scatter [tilespmem:s19], [sflag:$0x5], $0x80, $0x38;
	[tilespmem:$0x17400] =	vst v63  }
0x82: {  	s19 =	sadd.s32 $0xE520, s17;
	s20 =	sadd.s32 $0x20, s18  }
0x83: {  	[hbm4b:s20+s3] =	stream.linear.scatter [tilespmem:s19], [sflag:$0x5], $0x80, $0x38;
	[tilespmem:$0x17400] =	vst v63  }
0x84: {  	s19 =	sadd.s32 $0xE5B0, s17;
	s20 =	sadd.s32 $0x30, s18  }
0x85: {  	[hbm4b:s20+s3] =	stream.linear.scatter [tilespmem:s19], [sflag:$0x5], $0x80, $0x38;
	[tilespmem:$0x17400] =	vst v63  }
0x86: {  	s19 =	sadd.s32 $0xE640, s17;
	s20 =	sadd.s32 $0x40, s18  }
0x87: {  	[hbm4b:s20+s3] =	stream.linear.scatter [tilespmem:s19], [sflag:$0x5], $0x80, $0x38;
	[tilespmem:$0x17400] =	vst v63  }
0x88: {  	s19 =	sadd.s32 $0xE6D0, s17;
	s20 =	sadd.s32 $0x50, s18  }
0x89: {  	[hbm4b:s20+s3] =	stream.linear.scatter [tilespmem:s19], [sflag:$0x5], $0x80, $0x38;
	[tilespmem:$0x17400] =	vst v63  }
0x8a: {  	s19 =	sadd.s32 $0xE760, s17;
	s20 =	sadd.s32 $0x60, s18  }
0x8b: {  	[hbm4b:s20+s3] =	stream.linear.scatter [tilespmem:s19], [sflag:$0x5], $0x80, $0x38;
	[tilespmem:$0x17400] =	vst v63  }
0x8c: {  	s19 =	sadd.s32 $0xE7F0, s17;
	s20 =	sadd.s32 $0x70, s18  }
0x8d: {  	[hbm4b:s20+s3] =	stream.linear.scatter [tilespmem:s19], [sflag:$0x5], $0x80, $0x38;
	[tilespmem:$0x17400] =	vst v63  }
0x8e: {  	_ =	swait.ge [sflag:s23], $0x2000  }
0x8f: {  	[sflag:s23] =	ssyncset.done $0x0  }
0x90: {  	s6 =	simm.s32 @!p1 $0x6;
	[sflag:s23] =	ssyncadd.s32 $0xFFFFE000  }
0x91: {  	_ =	swait.ge @!p1 [sflag:s6], $0x2000  }
0x92: {  	[sflag:s6] =	ssyncset.done @!p1 $0x0  }
0x93: {  	s10 =	simm.s32 $0x8420;
	s17 =	simm.s32 $0x0;
	[sflag:s6] =	ssyncadd.s32 @!p1 $0xFFFFE000  }
0x94: {  	v4 =	vmov s17;
	v5 =	vld [tilespmem:s10+$0xFFFFFFE0]  }
0x95: {  	v8 =	vand.u32 $0x7F, v4  }
0x96: {  	v6 =	vadd.s32 v0, v8;
	_ =	sdelay $0x1  }
0x97: {  	s18 =	simm.s32 $0x1;
	s17 =	simm.s32 $0x8460  }
0x98: {  	v4 =	vmov s18;
	v7 =	vld [tilespmem:s17+$0xFFFFFFE0];
	v5 =	vmul.f32 $8.000000000e+00, v5  }
0x99: {  	v4 =	vand.u32 $0x7F, v4  }
0x9a: {  	v9 =	vadd.s32 v0, v4;
	[tilespmem:v6+s24+$0x0] =	vst.idx.msk $0xffff, v5  }
0x9b: {  	v6 =	vld [tilespmem:s10+$0xFFFFFFF0];
	_ =	sdelay $0x1  }
0x9c: {  	s19 =	simm.s32 $0x2;
	s18 =	simm.s32 $0x84A0;
	v10 =	vadd.s32 v1, v8;
	v7 =	vmul.f32 $8.000000000e+00, v7  }
0x9d: {  	v11 =	vld [tilespmem:s18+$0xFFFFFFE0];
	v5 =	vmov s19  }
0x9e: {  	[tilespmem:v9+s24+$0x0] =	vst.idx.msk $0xffff, v7;
	v5 =	vand.u32 $0x7F, v5  }
0x9f: {  	v9 =	vld [tilespmem:s17+$0xFFFFFFF0];
	v7 =	vadd.s32 v0, v5;
	v6 =	vmul.f32 $8.000000000e+00, v6;
	_ =	sdelay $0x1  }
0xa0: {  	[tilespmem:v10+s24+$0x0] =	vst.idx.msk $0xffff, v6  }
0xa1: {  	s20 =	simm.s32 $0x3;
	v12 =	vadd.s32 v1, v4;
	s19 =	simm.s32 $0x84E0;
	v6 =	vmul.f32 $8.000000000e+00, v11;
	v10 =	vld [tilespmem:s10+$0x0]  }
0xa2: {  	v13 =	vld [tilespmem:s19+$0xFFFFFFE0];
	v11 =	vmov s20  }
0xa3: {  	[tilespmem:v7+s24+$0x0] =	vst.idx.msk $0xffff, v6;
	v7 =	vmul.f32 $8.000000000e+00, v9;
	v6 =	vand.u32 $0x7F, v11;
	v9 =	vadd.s32 v2, v8  }
0xa4: {  	v14 =	vadd.s32 v0, v6  }
0xa5: {  	v11 =	vld [tilespmem:s18+$0xFFFFFFF0]  }
0xa6: {  	[tilespmem:v12+s24+$0x0] =	vst.idx.msk $0xffff, v7;
	v7 =	vmul.f32 $8.000000000e+00, v10  }
0xa7: {  	s6 =	simm.s32 $0x4;
	v15 =	vadd.s32 v1, v5;
	s20 =	simm.s32 $0x8520;
	v16 =	vld [tilespmem:s17+$0x0];
	v10 =	vmul.f32 $8.000000000e+00, v13  }
0xa8: {  	v17 =	vld [tilespmem:s20+$0xFFFFFFE0];
	v12 =	vmov s6;
	[tilespmem:v9+s24+$0x0] =	vst.idx.msk $0xffff, v7  }
0xa9: {  	v7 =	vand.u32 $0x7F, v12;
	[tilespmem:v14+s24+$0x0] =	vst.idx.msk $0xffff, v10;
	v10 =	vadd.s32 v2, v4;
	v9 =	vld [tilespmem:s10+$0x10]  }
0xaa: {  	v11 =	vmul.f32 $8.000000000e+00, v11;
	v12 =	vadd.s32 v0, v7  }
0xab: {  	v8 =	vadd.s32 v3, v8;
	v13 =	vld [tilespmem:s19+$0xFFFFFFF0]  }
0xac: {  	[tilespmem:v15+s24+$0x0] =	vst.idx.msk $0xffff, v11;
	v15 =	vmul.f32 $8.000000000e+00, v16  }
0xad: {  	s6 =	simm.s32 $0x5;
	v14 =	vadd.s32 v1, v6;
	s10 =	simm.s32 $0x8560;
	v16 =	vmul.f32 $8.000000000e+00, v17;
	v11 =	vld [tilespmem:s18+$0x0]  }
.LBB2_7:
0xae: {  	v17 =	vmov s6;
	v18 =	vld [tilespmem:s10+$0xFFFFFFE0];
	[tilespmem:v10+s24+$0x0] =	vst.idx.msk $0xffff, v15;
	v15 =	vmul.f32 $8.000000000e+00, v9;
	p2 =	sne.s32 s6, $0x7F  }
.Ltmp2:
0xaf: {  	s6 =	sadd.s32 $0x1, s6;
	v10 =	vadd.s32 v2, v5;
	v17 =	vand.u32 $0x7F, v17;
	[tilespmem:v12+s24+$0x0] =	vst.idx.msk $0xffff, v16;
	v9 =	vld [tilespmem:s17+$0x10];
	(pc) =	sbr.rel @p2 .LBB2_7-.Ltmp2, $4  }
0xb0: {  	s17 =	smov.u32 s18;
	s18 =	smov.u32 s19;
	s19 =	smov.u32 s20;
	v12 =	vadd.s32 v0, v17;
	v16 =	vmul.f32 $8.000000000e+00, v13;
	[tilespmem:v8+s24+$0x0] =	vst.idx.msk $0xffff, v15  }
0xb1: {  	s20 =	smov.u32 s10;
	v8 =	vadd.s32 v3, v4;
	v4 =	vmovc v5;
	v5 =	vmovc v6;
	v6 =	vmov v7;
	v7 =	vmov v17;
	v13 =	vld [tilespmem:s19+$0xFFFFFFF0]  }
0xb2: {  	[tilespmem:v14+s24+$0x0] =	vst.idx.msk $0xffff, v16;
	v15 =	vmul.f32 $8.000000000e+00, v11  }
0xb3: {  	s10 =	sadd.s32 $0x40, s10;
	v14 =	vadd.s32 v1, v6;
	v16 =	vmul.f32 $8.000000000e+00, v18;
	v11 =	vld [tilespmem:s18+$0x0]  }
0xb4: {  	_ =	sdelay $0x3  }
0xb5: {  	[tilespmem:v12+s24+$0x0] =	vst.idx.msk $0xffff, v16  }
0xb6: {  	v12 =	vld [tilespmem:s20+$0xFFFFFFF0];
	_ =	sdelay $0x1  }
0xb7: {  	v54 =	vadd.s32 v1, v7;
	_ =	sdelay $0x1  }
0xb8: {  	v13 =	vmul.f32 $8.000000000e+00, v13  }
0xb9: {  	v12 =	vmul.f32 $8.000000000e+00, v12  }
0xba: {  	[tilespmem:v14+s24+$0x0] =	vst.idx.msk $0xffff, v13  }
0xbb: {  	v13 =	vld [tilespmem:s19+$0x0];
	[tilespmem:v54+s24+$0x0] =	vst.idx.msk $0xffff, v12  }
0xbc: {  	v55 =	vadd.s32 v2, v5;
	v56 =	vld [tilespmem:s20+$0x0]  }
0xbd: {  	v57 =	vadd.s32 v2, v6  }
0xbe: {  	v17 =	vadd.s32 v2, v7  }
0xbf: {  	v11 =	vmul.f32 $8.000000000e+00, v11  }
0xc0: {  	[tilespmem:v10+s24+$0x0] =	vst.idx.msk $0xffff, v15;
	v58 =	vmul.f32 $8.000000000e+00, v13  }
0xc1: {  	v59 =	vld [tilespmem:s17+$0x10];
	[tilespmem:v55+s24+$0x0] =	vst.idx.msk $0xffff, v11;
	v60 =	vmul.f32 $8.000000000e+00, v56  }
0xc2: {  	v12 =	vld [tilespmem:s18+$0x10];
	[tilespmem:v57+s24+$0x0] =	vst.idx.msk $0xffff, v58  }
0xc3: {  	v4 =	vadd.s32 v3, v4;
	v10 =	vld [tilespmem:s19+$0x10];
	[tilespmem:v17+s24+$0x0] =	vst.idx.msk $0xffff, v60  }
0xc4: {  	v5 =	vadd.s32 v3, v5;
	v11 =	vld [tilespmem:s20+$0x10]  }
0xc5: {  	v9 =	vmul.f32 $8.000000000e+00, v9;
	v61 =	vadd.s32 v3, v6  }
0xc6: {  	v62 =	vadd.s32 v3, v7;
	v13 =	vmul.f32 $8.000000000e+00, v59  }
0xc7: {  	[tilespmem:v8+s24+$0x0] =	vst.idx.msk $0xffff, v9;
	v63 =	vmul.f32 $8.000000000e+00, v12  }
0xc8: {  	[tilespmem:v4+s24+$0x0] =	vst.idx.msk $0xffff, v13;
	v4 =	vmul.f32 $8.000000000e+00, v10  }
0xc9: {  	[tilespmem:v5+s24+$0x0] =	vst.idx.msk $0xffff, v63;
	v5 =	vmul.f32 $8.000000000e+00, v11  }
0xca: {  	s6 =	sadd.s32 @!p0 $0x280, s15;
	[tilespmem:v61+s24+$0x0] =	vst.idx.msk $0xffff, v4  }
0xcb: {  	s10 =	simm.s32 @!p0 $0x80;
	s6 =	sand.u32 @!p0 $0xFE80, s6;
	s17 =	simm.s32 @!p0 $0x8400;
	[tilespmem:v62+s24+$0x0] =	vst.idx.msk $0xffff, v5  }
0xcc: {  	[tilespmem:s17], [sflag:$0x2] =	stream.indirect.gather @!p0 [hbm4b:s5+s10], $0x40, s6, s10, $0xb8;
	[tilespmem:$0x17400] =	vst v63  }
0xcd: {  	s18 =	sadd.s32 s16, s7;
	s20 =	simm.s32 $0x10800  }
0xce: {  	[hbm4b:s18+s3] =	stream.linear.scatter [tilespmem:s20], [sflag:$0x6], $0x80, $0x38;
	[tilespmem:$0x17400] =	vst v63  }
0xcf: {  	s10 =	simm.s32 $0x10890;
	s17 =	sadd.s32 $0x10, s18  }
0xd0: {  	[hbm4b:s17+s3] =	stream.linear.scatter [tilespmem:s10], [sflag:$0x6], $0x80, $0x38;
	[tilespmem:$0x17400] =	vst v63  }
0xd1: {  	s19 =	simm.s32 $0x10920;
	s20 =	sadd.s32 $0x20, s18  }
0xd2: {  	[hbm4b:s20+s3] =	stream.linear.scatter [tilespmem:s19], [sflag:$0x6], $0x80, $0x38;
	[tilespmem:$0x17400] =	vst v63  }
0xd3: {  	s10 =	simm.s32 $0x109B0;
	s17 =	sadd.s32 $0x30, s18  }
0xd4: {  	[hbm4b:s17+s3] =	stream.linear.scatter [tilespmem:s10], [sflag:$0x6], $0x80, $0x38;
	[tilespmem:$0x17400] =	vst v63  }
0xd5: {  	s19 =	simm.s32 $0x10A40;
	s20 =	sadd.s32 $0x40, s18  }
0xd6: {  	[hbm4b:s20+s3] =	stream.linear.scatter [tilespmem:s19], [sflag:$0x6], $0x80, $0x38;
	[tilespmem:$0x17400] =	vst v63  }
0xd7: {  	s6 =	simm.s32 $0x2400;
	s10 =	simm.s32 $0x10AD0;
	s17 =	sadd.s32 $0x50, s18  }
0xd8: {  	[hbm4b:s17+s3] =	stream.linear.scatter [tilespmem:s10], [sflag:$0x6], $0x80, $0x38;
	[tilespmem:$0x17400] =	vst v63  }
0xd9: {  	s19 =	simm.s32 $0x10B60;
	s20 =	sadd.s32 $0x60, s18;
	s17 =	simm.s32 $0x480  }
0xda: {  	[hbm4b:s20+s3] =	stream.linear.scatter [tilespmem:s19], [sflag:$0x6], $0x80, $0x38;
	[tilespmem:$0x17400] =	vst v63  }
0xdb: {  	s10 =	simm.s32 $0x10BF0;
	s19 =	sadd.s32 $0x70, s18;
	s18 =	sadd.s32 $0x1000, s18  }
.LBB2_9:
0xdc: {  	[hbm4b:s19+s3] =	stream.linear.scatter [tilespmem:s10], [sflag:$0x6], $0x80, $0x38;
	[tilespmem:$0x17400] =	vst v63  }
0xdd: {  	s10 =	smov.u32 s17;
	s17 =	smov.u32 s6  }
0xde: {  	s20 =	sadd.s32 $0x1200, s6;
	s17 =	sshra.s32 s17, $0x2;
	s19 =	sadd.s32 $0x10800, s10  }
0xdf: {  	[hbm4b:s18+s3] =	stream.linear.scatter [tilespmem:s19], [sflag:$0x6], $0x80, $0x38;
	[tilespmem:$0x17400] =	vst v63  }
0xe0: {  	p2 =	sne.s32 s6, $0x7E00;
	s6 =	sadd.s32 $0x10890, s10;
	s19 =	sadd.s32 $0x10, s18  }
0xe1: {  	[hbm4b:s19+s3] =	stream.linear.scatter [tilespmem:s6], [sflag:$0x6], $0x80, $0x38;
	[tilespmem:$0x17400] =	vst v63  }
0xe2: {  	s6 =	sadd.s32 $0x10920, s10;
	s19 =	sadd.s32 $0x20, s18  }
0xe3: {  	[hbm4b:s19+s3] =	stream.linear.scatter [tilespmem:s6], [sflag:$0x6], $0x80, $0x38;
	[tilespmem:$0x17400] =	vst v63  }
0xe4: {  	s6 =	sadd.s32 $0x109B0, s10;
	s19 =	sadd.s32 $0x30, s18  }
0xe5: {  	[hbm4b:s19+s3] =	stream.linear.scatter [tilespmem:s6], [sflag:$0x6], $0x80, $0x38;
	[tilespmem:$0x17400] =	vst v63  }
0xe6: {  	s6 =	sadd.s32 $0x10A40, s10;
	s19 =	sadd.s32 $0x40, s18  }
0xe7: {  	[hbm4b:s19+s3] =	stream.linear.scatter [tilespmem:s6], [sflag:$0x6], $0x80, $0x38;
	[tilespmem:$0x17400] =	vst v63  }
.Ltmp3:
0xe8: {  	s6 =	sadd.s32 $0x10AD0, s10;
	s19 =	sadd.s32 $0x50, s18;
	(pc) =	sbr.rel @p2 .LBB2_9-.Ltmp3, $4  }
0xe9: {  	[hbm4b:s19+s3] =	stream.linear.scatter [tilespmem:s6], [sflag:$0x6], $0x80, $0x38;
	[tilespmem:$0x17400] =	vst v63  }
0xea: {  	s6 =	sadd.s32 $0x10B60, s10;
	s19 =	sadd.s32 $0x60, s18;
	s10 =	sadd.s32 $0x10BF0, s10  }
0xeb: {  	[hbm4b:s19+s3] =	stream.linear.scatter [tilespmem:s6], [sflag:$0x6], $0x80, $0x38;
	[tilespmem:$0x17400] =	vst v63  }
0xec: {  	s19 =	sadd.s32 $0x70, s18;
	s18 =	sadd.s32 $0x1000, s18;
	s6 =	smov.u32 s20  }
0xed: {  	[hbm4b:s19+s3] =	stream.linear.scatter [tilespmem:s10], [sflag:$0x6], $0x80, $0x38;
	[tilespmem:$0x17400] =	vst v63  }
0xee: {  	s6 =	sadd.s32 $0x10800, s17  }
0xef: {  	[hbm4b:s18+s3] =	stream.linear.scatter [tilespmem:s6], [sflag:$0x6], $0x80, $0x38;
	[tilespmem:$0x17400] =	vst v63  }
0xf0: {  	s19 =	sadd.s32 $0x10890, s17;
	s20 =	sadd.s32 $0x10, s18  }
0xf1: {  	[hbm4b:s20+s3] =	stream.linear.scatter [tilespmem:s19], [sflag:$0x6], $0x80, $0x38;
	[tilespmem:$0x17400] =	vst v63  }
0xf2: {  	s19 =	sadd.s32 $0x10920, s17;
	s20 =	sadd.s32 $0x20, s18  }
0xf3: {  	[hbm4b:s20+s3] =	stream.linear.scatter [tilespmem:s19], [sflag:$0x6], $0x80, $0x38;
	[tilespmem:$0x17400] =	vst v63  }
0xf4: {  	s19 =	sadd.s32 $0x109B0, s17;
	s20 =	sadd.s32 $0x30, s18  }
0xf5: {  	[hbm4b:s20+s3] =	stream.linear.scatter [tilespmem:s19], [sflag:$0x6], $0x80, $0x38;
	[tilespmem:$0x17400] =	vst v63  }
0xf6: {  	s19 =	sadd.s32 $0x10A40, s17;
	s20 =	sadd.s32 $0x40, s18  }
0xf7: {  	[hbm4b:s20+s3] =	stream.linear.scatter [tilespmem:s19], [sflag:$0x6], $0x80, $0x38;
	[tilespmem:$0x17400] =	vst v63  }
0xf8: {  	s19 =	sadd.s32 $0x10AD0, s17;
	s20 =	sadd.s32 $0x50, s18  }
0xf9: {  	[hbm4b:s20+s3] =	stream.linear.scatter [tilespmem:s19], [sflag:$0x6], $0x80, $0x38;
	[tilespmem:$0x17400] =	vst v63  }
0xfa: {  	s19 =	sadd.s32 $0x10B60, s17;
	s20 =	sadd.s32 $0x60, s18  }
0xfb: {  	[hbm4b:s20+s3] =	stream.linear.scatter [tilespmem:s19], [sflag:$0x6], $0x80, $0x38;
	[tilespmem:$0x17400] =	vst v63  }
0xfc: {  	s19 =	sadd.s32 $0x10BF0, s17;
	s20 =	sadd.s32 $0x70, s18  }
0xfd: {  	[hbm4b:s20+s3] =	stream.linear.scatter [tilespmem:s19], [sflag:$0x6], $0x80, $0x38;
	[tilespmem:$0x17400] =	vst v63  }
0xfe: {  	_ =	swait.ge [sflag:s25], $0x2000  }
0xff: {  	[sflag:s25] =	ssyncset.done $0x0  }
0x100: {  	s6 =	simm.s32 @!p1 $0x7;
	[sflag:s25] =	ssyncadd.s32 $0xFFFFE000  }
0x101: {  	_ =	swait.ge @!p1 [sflag:s6], $0x2000  }
0x102: {  	[sflag:s6] =	ssyncset.done @!p1 $0x0  }
0x103: {  	s10 =	simm.s32 $0xA420;
	s17 =	simm.s32 $0x0;
	[sflag:s6] =	ssyncadd.s32 @!p1 $0xFFFFE000  }
0x104: {  	v4 =	vmov s17;
	v5 =	vld [tilespmem:s10+$0xFFFFFFE0]  }
0x105: {  	v8 =	vand.u32 $0x7F, v4  }
0x106: {  	v6 =	vadd.s32 v0, v8;
	_ =	sdelay $0x1  }
0x107: {  	s18 =	simm.s32 $0x1;
	s17 =	simm.s32 $0xA460  }
0x108: {  	v4 =	vmov s18;
	v7 =	vld [tilespmem:s17+$0xFFFFFFE0];
	v5 =	vmul.f32 $8.000000000e+00, v5  }
0x109: {  	v4 =	vand.u32 $0x7F, v4  }
0x10a: {  	v9 =	vadd.s32 v0, v4;
	[tilespmem:v6+s26+$0x0] =	vst.idx.msk $0xffff, v5  }
0x10b: {  	v6 =	vld [tilespmem:s10+$0xFFFFFFF0];
	_ =	sdelay $0x1  }
0x10c: {  	s19 =	simm.s32 $0x2;
	s18 =	simm.s32 $0xA4A0;
	v10 =	vadd.s32 v1, v8;
	v7 =	vmul.f32 $8.000000000e+00, v7  }
0x10d: {  	v11 =	vld [tilespmem:s18+$0xFFFFFFE0];
	v5 =	vmov s19  }
0x10e: {  	[tilespmem:v9+s26+$0x0] =	vst.idx.msk $0xffff, v7;
	v5 =	vand.u32 $0x7F, v5  }
0x10f: {  	v9 =	vld [tilespmem:s17+$0xFFFFFFF0];
	v7 =	vadd.s32 v0, v5;
	v6 =	vmul.f32 $8.000000000e+00, v6;
	_ =	sdelay $0x1  }
0x110: {  	[tilespmem:v10+s26+$0x0] =	vst.idx.msk $0xffff, v6  }
0x111: {  	s20 =	simm.s32 $0x3;
	v12 =	vadd.s32 v1, v4;
	s19 =	simm.s32 $0xA4E0;
	v6 =	vmul.f32 $8.000000000e+00, v11;
	v10 =	vld [tilespmem:s10+$0x0]  }
0x112: {  	v13 =	vld [tilespmem:s19+$0xFFFFFFE0];
	v11 =	vmov s20  }
0x113: {  	[tilespmem:v7+s26+$0x0] =	vst.idx.msk $0xffff, v6;
	v7 =	vmul.f32 $8.000000000e+00, v9;
	v6 =	vand.u32 $0x7F, v11;
	v9 =	vadd.s32 v2, v8  }
0x114: {  	v14 =	vadd.s32 v0, v6  }
0x115: {  	v11 =	vld [tilespmem:s18+$0xFFFFFFF0]  }
0x116: {  	[tilespmem:v12+s26+$0x0] =	vst.idx.msk $0xffff, v7;
	v7 =	vmul.f32 $8.000000000e+00, v10  }
0x117: {  	s6 =	simm.s32 $0x4;
	v15 =	vadd.s32 v1, v5;
	s20 =	simm.s32 $0xA520;
	v16 =	vld [tilespmem:s17+$0x0];
	v10 =	vmul.f32 $8.000000000e+00, v13  }
0x118: {  	v17 =	vld [tilespmem:s20+$0xFFFFFFE0];
	v12 =	vmov s6;
	[tilespmem:v9+s26+$0x0] =	vst.idx.msk $0xffff, v7  }
0x119: {  	v7 =	vand.u32 $0x7F, v12;
	[tilespmem:v14+s26+$0x0] =	vst.idx.msk $0xffff, v10;
	v10 =	vadd.s32 v2, v4;
	v9 =	vld [tilespmem:s10+$0x10]  }
0x11a: {  	v11 =	vmul.f32 $8.000000000e+00, v11;
	v12 =	vadd.s32 v0, v7  }
0x11b: {  	v8 =	vadd.s32 v3, v8;
	v13 =	vld [tilespmem:s19+$0xFFFFFFF0]  }
0x11c: {  	[tilespmem:v15+s26+$0x0] =	vst.idx.msk $0xffff, v11;
	v15 =	vmul.f32 $8.000000000e+00, v16  }
0x11d: {  	s6 =	simm.s32 $0x5;
	v14 =	vadd.s32 v1, v6;
	s10 =	simm.s32 $0xA560;
	v16 =	vmul.f32 $8.000000000e+00, v17;
	v11 =	vld [tilespmem:s18+$0x0]  }
.LBB2_11:
0x11e: {  	v17 =	vmov s6;
	v18 =	vld [tilespmem:s10+$0xFFFFFFE0];
	[tilespmem:v10+s26+$0x0] =	vst.idx.msk $0xffff, v15;
	v15 =	vmul.f32 $8.000000000e+00, v9;
	p2 =	sne.s32 s6, $0x7F  }
.Ltmp4:
0x11f: {  	s6 =	sadd.s32 $0x1, s6;
	v10 =	vadd.s32 v2, v5;
	v17 =	vand.u32 $0x7F, v17;
	[tilespmem:v12+s26+$0x0] =	vst.idx.msk $0xffff, v16;
	v9 =	vld [tilespmem:s17+$0x10];
	(pc) =	sbr.rel @p2 .LBB2_11-.Ltmp4, $4  }
0x120: {  	s17 =	smov.u32 s18;
	s18 =	smov.u32 s19;
	s19 =	smov.u32 s20;
	v12 =	vadd.s32 v0, v17;
	v16 =	vmul.f32 $8.000000000e+00, v13;
	[tilespmem:v8+s26+$0x0] =	vst.idx.msk $0xffff, v15  }
0x121: {  	s20 =	smov.u32 s10;
	v8 =	vadd.s32 v3, v4;
	v4 =	vmovc v5;
	v5 =	vmovc v6;
	v6 =	vmov v7;
	v7 =	vmov v17;
	v13 =	vld [tilespmem:s19+$0xFFFFFFF0]  }
0x122: {  	[tilespmem:v14+s26+$0x0] =	vst.idx.msk $0xffff, v16;
	v15 =	vmul.f32 $8.000000000e+00, v11  }
0x123: {  	s10 =	sadd.s32 $0x40, s10;
	v14 =	vadd.s32 v1, v6;
	v16 =	vmul.f32 $8.000000000e+00, v18;
	v11 =	vld [tilespmem:s18+$0x0]  }
0x124: {  	_ =	sdelay $0x3  }
0x125: {  	[tilespmem:v12+s26+$0x0] =	vst.idx.msk $0xffff, v16  }
0x126: {  	v12 =	vld [tilespmem:s20+$0xFFFFFFF0];
	_ =	sdelay $0x1  }
0x127: {  	v54 =	vadd.s32 v1, v7;
	_ =	sdelay $0x1  }
0x128: {  	v13 =	vmul.f32 $8.000000000e+00, v13  }
0x129: {  	v12 =	vmul.f32 $8.000000000e+00, v12  }
0x12a: {  	[tilespmem:v14+s26+$0x0] =	vst.idx.msk $0xffff, v13  }
0x12b: {  	v13 =	vld [tilespmem:s19+$0x0];
	[tilespmem:v54+s26+$0x0] =	vst.idx.msk $0xffff, v12  }
0x12c: {  	v55 =	vadd.s32 v2, v5;
	v56 =	vld [tilespmem:s20+$0x0]  }
0x12d: {  	v57 =	vadd.s32 v2, v6  }
0x12e: {  	v17 =	vadd.s32 v2, v7  }
0x12f: {  	v11 =	vmul.f32 $8.000000000e+00, v11  }
0x130: {  	[tilespmem:v10+s26+$0x0] =	vst.idx.msk $0xffff, v15;
	v58 =	vmul.f32 $8.000000000e+00, v13  }
0x131: {  	v59 =	vld [tilespmem:s17+$0x10];
	[tilespmem:v55+s26+$0x0] =	vst.idx.msk $0xffff, v11;
	v60 =	vmul.f32 $8.000000000e+00, v56  }
0x132: {  	v12 =	vld [tilespmem:s18+$0x10];
	[tilespmem:v57+s26+$0x0] =	vst.idx.msk $0xffff, v58  }
0x133: {  	v4 =	vadd.s32 v3, v4;
	v10 =	vld [tilespmem:s19+$0x10];
	[tilespmem:v17+s26+$0x0] =	vst.idx.msk $0xffff, v60  }
0x134: {  	v5 =	vadd.s32 v3, v5;
	v11 =	vld [tilespmem:s20+$0x10]  }
0x135: {  	v9 =	vmul.f32 $8.000000000e+00, v9;
	v61 =	vadd.s32 v3, v6  }
0x136: {  	v62 =	vadd.s32 v3, v7;
	v13 =	vmul.f32 $8.000000000e+00, v59  }
0x137: {  	[tilespmem:v8+s26+$0x0] =	vst.idx.msk $0xffff, v9;
	v63 =	vmul.f32 $8.000000000e+00, v12  }
0x138: {  	[tilespmem:v4+s26+$0x0] =	vst.idx.msk $0xffff, v13;
	v4 =	vmul.f32 $8.000000000e+00, v10  }
0x139: {  	[tilespmem:v5+s26+$0x0] =	vst.idx.msk $0xffff, v63;
	v5 =	vmul.f32 $8.000000000e+00, v11  }
0x13a: {  	s6 =	sadd.s32 @!p0 $0x300, s15;
	[tilespmem:v61+s26+$0x0] =	vst.idx.msk $0xffff, v4  }
0x13b: {  	s10 =	simm.s32 @!p0 $0x80;
	s6 =	sand.u32 @!p0 $0xFF00, s6;
	s17 =	simm.s32 @!p0 $0xA400;
	[tilespmem:v62+s26+$0x0] =	vst.idx.msk $0xffff, v5  }
0x13c: {  	[tilespmem:s17], [sflag:$0x3] =	stream.indirect.gather @!p0 [hbm4b:s5+s10], $0x40, s6, s10, $0xb8;
	[tilespmem:$0x17400] =	vst v63  }
0x13d: {  	s18 =	sadd.s32 s16, s8;
	s20 =	simm.s32 $0x12C00  }
0x13e: {  	[hbm4b:s18+s3] =	stream.linear.scatter [tilespmem:s20], [sflag:$0x7], $0x80, $0x38;
	[tilespmem:$0x17400] =	vst v63  }
0x13f: {  	s10 =	simm.s32 $0x12C90;
	s17 =	sadd.s32 $0x10, s18  }
0x140: {  	[hbm4b:s17+s3] =	stream.linear.scatter [tilespmem:s10], [sflag:$0x7], $0x80, $0x38;
	[tilespmem:$0x17400] =	vst v63  }
0x141: {  	s19 =	simm.s32 $0x12D20;
	s20 =	sadd.s32 $0x20, s18  }
0x142: {  	[hbm4b:s20+s3] =	stream.linear.scatter [tilespmem:s19], [sflag:$0x7], $0x80, $0x38;
	[tilespmem:$0x17400] =	vst v63  }
0x143: {  	s10 =	simm.s32 $0x12DB0;
	s17 =	sadd.s32 $0x30, s18  }
0x144: {  	[hbm4b:s17+s3] =	stream.linear.scatter [tilespmem:s10], [sflag:$0x7], $0x80, $0x38;
	[tilespmem:$0x17400] =	vst v63  }
0x145: {  	s19 =	simm.s32 $0x12E40;
	s20 =	sadd.s32 $0x40, s18  }
0x146: {  	[hbm4b:s20+s3] =	stream.linear.scatter [tilespmem:s19], [sflag:$0x7], $0x80, $0x38;
	[tilespmem:$0x17400] =	vst v63  }
0x147: {  	s6 =	simm.s32 $0x2400;
	s10 =	simm.s32 $0x12ED0;
	s17 =	sadd.s32 $0x50, s18  }
0x148: {  	[hbm4b:s17+s3] =	stream.linear.scatter [tilespmem:s10], [sflag:$0x7], $0x80, $0x38;
	[tilespmem:$0x17400] =	vst v63  }
0x149: {  	s19 =	simm.s32 $0x12F60;
	s20 =	sadd.s32 $0x60, s18;
	s17 =	simm.s32 $0x480  }
0x14a: {  	[hbm4b:s20+s3] =	stream.linear.scatter [tilespmem:s19], [sflag:$0x7], $0x80, $0x38;
	[tilespmem:$0x17400] =	vst v63  }
0x14b: {  	s10 =	simm.s32 $0x12FF0;
	s19 =	sadd.s32 $0x70, s18;
	s18 =	sadd.s32 $0x1000, s18  }
.LBB2_13:
0x14c: {  	[hbm4b:s19+s3] =	stream.linear.scatter [tilespmem:s10], [sflag:$0x7], $0x80, $0x38;
	[tilespmem:$0x17400] =	vst v63  }
0x14d: {  	s10 =	smov.u32 s17;
	s17 =	smov.u32 s6  }
0x14e: {  	s20 =	sadd.s32 $0x1200, s6;
	s17 =	sshra.s32 s17, $0x2;
	s19 =	sadd.s32 $0x12C00, s10  }
0x14f: {  	[hbm4b:s18+s3] =	stream.linear.scatter [tilespmem:s19], [sflag:$0x7], $0x80, $0x38;
	[tilespmem:$0x17400] =	vst v63  }
0x150: {  	p2 =	sne.s32 s6, $0x7E00;
	s6 =	sadd.s32 $0x12C90, s10;
	s19 =	sadd.s32 $0x10, s18  }
0x151: {  	[hbm4b:s19+s3] =	stream.linear.scatter [tilespmem:s6], [sflag:$0x7], $0x80, $0x38;
	[tilespmem:$0x17400] =	vst v63  }
0x152: {  	s6 =	sadd.s32 $0x12D20, s10;
	s19 =	sadd.s32 $0x20, s18  }
0x153: {  	[hbm4b:s19+s3] =	stream.linear.scatter [tilespmem:s6], [sflag:$0x7], $0x80, $0x38;
	[tilespmem:$0x17400] =	vst v63  }
0x154: {  	s6 =	sadd.s32 $0x12DB0, s10;
	s19 =	sadd.s32 $0x30, s18  }
0x155: {  	[hbm4b:s19+s3] =	stream.linear.scatter [tilespmem:s6], [sflag:$0x7], $0x80, $0x38;
	[tilespmem:$0x17400] =	vst v63  }
0x156: {  	s6 =	sadd.s32 $0x12E40, s10;
	s19 =	sadd.s32 $0x40, s18  }
0x157: {  	[hbm4b:s19+s3] =	stream.linear.scatter [tilespmem:s6], [sflag:$0x7], $0x80, $0x38;
	[tilespmem:$0x17400] =	vst v63  }
.Ltmp5:
0x158: {  	s6 =	sadd.s32 $0x12ED0, s10;
	s19 =	sadd.s32 $0x50, s18;
	(pc) =	sbr.rel @p2 .LBB2_13-.Ltmp5, $4  }
0x159: {  	[hbm4b:s19+s3] =	stream.linear.scatter [tilespmem:s6], [sflag:$0x7], $0x80, $0x38;
	[tilespmem:$0x17400] =	vst v63  }
0x15a: {  	s6 =	sadd.s32 $0x12F60, s10;
	s19 =	sadd.s32 $0x60, s18;
	s10 =	sadd.s32 $0x12FF0, s10  }
0x15b: {  	[hbm4b:s19+s3] =	stream.linear.scatter [tilespmem:s6], [sflag:$0x7], $0x80, $0x38;
	[tilespmem:$0x17400] =	vst v63  }
0x15c: {  	s19 =	sadd.s32 $0x70, s18;
	s18 =	sadd.s32 $0x1000, s18;
	s6 =	smov.u32 s20  }
0x15d: {  	[hbm4b:s19+s3] =	stream.linear.scatter [tilespmem:s10], [sflag:$0x7], $0x80, $0x38;
	[tilespmem:$0x17400] =	vst v63  }
0x15e: {  	s6 =	sadd.s32 $0x12C00, s17  }
0x15f: {  	[hbm4b:s18+s3] =	stream.linear.scatter [tilespmem:s6], [sflag:$0x7], $0x80, $0x38;
	[tilespmem:$0x17400] =	vst v63  }
0x160: {  	s19 =	sadd.s32 $0x12C90, s17;
	s20 =	sadd.s32 $0x10, s18  }
0x161: {  	[hbm4b:s20+s3] =	stream.linear.scatter [tilespmem:s19], [sflag:$0x7], $0x80, $0x38;
	[tilespmem:$0x17400] =	vst v63  }
0x162: {  	s19 =	sadd.s32 $0x12D20, s17;
	s20 =	sadd.s32 $0x20, s18  }
0x163: {  	[hbm4b:s20+s3] =	stream.linear.scatter [tilespmem:s19], [sflag:$0x7], $0x80, $0x38;
	[tilespmem:$0x17400] =	vst v63  }
0x164: {  	s19 =	sadd.s32 $0x12DB0, s17;
	s20 =	sadd.s32 $0x30, s18  }
0x165: {  	[hbm4b:s20+s3] =	stream.linear.scatter [tilespmem:s19], [sflag:$0x7], $0x80, $0x38;
	[tilespmem:$0x17400] =	vst v63  }
0x166: {  	s19 =	sadd.s32 $0x12E40, s17;
	s20 =	sadd.s32 $0x40, s18  }
0x167: {  	[hbm4b:s20+s3] =	stream.linear.scatter [tilespmem:s19], [sflag:$0x7], $0x80, $0x38;
	[tilespmem:$0x17400] =	vst v63  }
0x168: {  	s19 =	sadd.s32 $0x12ED0, s17;
	s20 =	sadd.s32 $0x50, s18  }
0x169: {  	[hbm4b:s20+s3] =	stream.linear.scatter [tilespmem:s19], [sflag:$0x7], $0x80, $0x38;
	[tilespmem:$0x17400] =	vst v63  }
0x16a: {  	s19 =	sadd.s32 $0x12F60, s17;
	s20 =	sadd.s32 $0x60, s18  }
0x16b: {  	[hbm4b:s20+s3] =	stream.linear.scatter [tilespmem:s19], [sflag:$0x7], $0x80, $0x38;
	[tilespmem:$0x17400] =	vst v63  }
0x16c: {  	s19 =	sadd.s32 $0x12FF0, s17;
	s20 =	sadd.s32 $0x70, s18  }
0x16d: {  	[hbm4b:s20+s3] =	stream.linear.scatter [tilespmem:s19], [sflag:$0x7], $0x80, $0x38;
	[tilespmem:$0x17400] =	vst v63  }
0x16e: {  	_ =	swait.ge [sflag:s28], $0x2000  }
0x16f: {  	[sflag:s28] =	ssyncset.done $0x0  }
0x170: {  	s6 =	simm.s32 @!p1 $0x8;
	[sflag:s28] =	ssyncadd.s32 $0xFFFFE000  }
0x171: {  	_ =	swait.ge @!p1 [sflag:s6], $0x2000  }
0x172: {  	[sflag:s6] =	ssyncset.done @!p1 $0x0  }
0x173: {  	s10 =	simm.s32 $0xC420;
	s17 =	simm.s32 $0x0;
	[sflag:s6] =	ssyncadd.s32 @!p1 $0xFFFFE000  }
0x174: {  	v4 =	vmov s17;
	v5 =	vld [tilespmem:s10+$0xFFFFFFE0]  }
0x175: {  	v8 =	vand.u32 $0x7F, v4  }
0x176: {  	v6 =	vadd.s32 v0, v8;
	_ =	sdelay $0x1  }
0x177: {  	s18 =	simm.s32 $0x1;
	s17 =	simm.s32 $0xC460  }
0x178: {  	v4 =	vmov s18;
	v7 =	vld [tilespmem:s17+$0xFFFFFFE0];
	v5 =	vmul.f32 $8.000000000e+00, v5  }
0x179: {  	v4 =	vand.u32 $0x7F, v4  }
0x17a: {  	v9 =	vadd.s32 v0, v4;
	[tilespmem:v6+s29+$0x0] =	vst.idx.msk $0xffff, v5  }
0x17b: {  	v6 =	vld [tilespmem:s10+$0xFFFFFFF0];
	_ =	sdelay $0x1  }
0x17c: {  	s19 =	simm.s32 $0x2;
	s18 =	simm.s32 $0xC4A0;
	v10 =	vadd.s32 v1, v8;
	v7 =	vmul.f32 $8.000000000e+00, v7  }
0x17d: {  	v11 =	vld [tilespmem:s18+$0xFFFFFFE0];
	v5 =	vmov s19  }
0x17e: {  	[tilespmem:v9+s29+$0x0] =	vst.idx.msk $0xffff, v7;
	v5 =	vand.u32 $0x7F, v5  }
0x17f: {  	v9 =	vld [tilespmem:s17+$0xFFFFFFF0];
	v7 =	vadd.s32 v0, v5;
	v6 =	vmul.f32 $8.000000000e+00, v6;
	_ =	sdelay $0x1  }
0x180: {  	[tilespmem:v10+s29+$0x0] =	vst.idx.msk $0xffff, v6  }
0x181: {  	s20 =	simm.s32 $0x3;
	v12 =	vadd.s32 v1, v4;
	s19 =	simm.s32 $0xC4E0;
	v6 =	vmul.f32 $8.000000000e+00, v11;
	v10 =	vld [tilespmem:s10+$0x0]  }
0x182: {  	v13 =	vld [tilespmem:s19+$0xFFFFFFE0];
	v11 =	vmov s20  }
0x183: {  	[tilespmem:v7+s29+$0x0] =	vst.idx.msk $0xffff, v6;
	v7 =	vmul.f32 $8.000000000e+00, v9;
	v6 =	vand.u32 $0x7F, v11;
	v9 =	vadd.s32 v2, v8  }
0x184: {  	v14 =	vadd.s32 v0, v6  }
0x185: {  	v11 =	vld [tilespmem:s18+$0xFFFFFFF0]  }
0x186: {  	[tilespmem:v12+s29+$0x0] =	vst.idx.msk $0xffff, v7;
	v7 =	vmul.f32 $8.000000000e+00, v10  }
0x187: {  	s6 =	simm.s32 $0x4;
	v15 =	vadd.s32 v1, v5;
	s20 =	simm.s32 $0xC520;
	v16 =	vld [tilespmem:s17+$0x0];
	v10 =	vmul.f32 $8.000000000e+00, v13  }
0x188: {  	v17 =	vld [tilespmem:s20+$0xFFFFFFE0];
	v12 =	vmov s6;
	[tilespmem:v9+s29+$0x0] =	vst.idx.msk $0xffff, v7  }
0x189: {  	v7 =	vand.u32 $0x7F, v12;
	[tilespmem:v14+s29+$0x0] =	vst.idx.msk $0xffff, v10;
	v10 =	vadd.s32 v2, v4;
	v9 =	vld [tilespmem:s10+$0x10]  }
0x18a: {  	v11 =	vmul.f32 $8.000000000e+00, v11;
	v12 =	vadd.s32 v0, v7  }
0x18b: {  	v8 =	vadd.s32 v3, v8;
	v13 =	vld [tilespmem:s19+$0xFFFFFFF0]  }
0x18c: {  	[tilespmem:v15+s29+$0x0] =	vst.idx.msk $0xffff, v11;
	v15 =	vmul.f32 $8.000000000e+00, v16  }
0x18d: {  	s6 =	simm.s32 $0x5;
	v14 =	vadd.s32 v1, v6;
	s10 =	simm.s32 $0xC560;
	v16 =	vmul.f32 $8.000000000e+00, v17;
	v11 =	vld [tilespmem:s18+$0x0]  }
.LBB2_15:
0x18e: {  	v17 =	vmov s6;
	v18 =	vld [tilespmem:s10+$0xFFFFFFE0];
	[tilespmem:v10+s29+$0x0] =	vst.idx.msk $0xffff, v15;
	v15 =	vmul.f32 $8.000000000e+00, v9;
	p1 =	sne.s32 s6, $0x7F  }
.Ltmp6:
0x18f: {  	s6 =	sadd.s32 $0x1, s6;
	v10 =	vadd.s32 v2, v5;
	v17 =	vand.u32 $0x7F, v17;
	[tilespmem:v12+s29+$0x0] =	vst.idx.msk $0xffff, v16;
	v9 =	vld [tilespmem:s17+$0x10];
	(pc) =	sbr.rel @p1 .LBB2_15-.Ltmp6, $4  }
0x190: {  	s17 =	smov.u32 s18;
	s18 =	smov.u32 s19;
	s19 =	smov.u32 s20;
	v12 =	vadd.s32 v0, v17;
	v16 =	vmul.f32 $8.000000000e+00, v13;
	[tilespmem:v8+s29+$0x0] =	vst.idx.msk $0xffff, v15  }
0x191: {  	s20 =	smov.u32 s10;
	v8 =	vadd.s32 v3, v4;
	v4 =	vmovc v5;
	v5 =	vmovc v6;
	v6 =	vmov v7;
	v7 =	vmov v17;
	v13 =	vld [tilespmem:s19+$0xFFFFFFF0]  }
0x192: {  	[tilespmem:v14+s29+$0x0] =	vst.idx.msk $0xffff, v16;
	v15 =	vmul.f32 $8.000000000e+00, v11  }
0x193: {  	s10 =	sadd.s32 $0x40, s10;
	v14 =	vadd.s32 v1, v6;
	v16 =	vmul.f32 $8.000000000e+00, v18;
	v11 =	vld [tilespmem:s18+$0x0]  }
0x194: {  	_ =	sdelay $0x3  }
0x195: {  	[tilespmem:v12+s29+$0x0] =	vst.idx.msk $0xffff, v16  }
0x196: {  	v12 =	vld [tilespmem:s20+$0xFFFFFFF0];
	_ =	sdelay $0x1  }
0x197: {  	v54 =	vadd.s32 v1, v7;
	_ =	sdelay $0x1  }
0x198: {  	v13 =	vmul.f32 $8.000000000e+00, v13  }
0x199: {  	v12 =	vmul.f32 $8.000000000e+00, v12  }
0x19a: {  	[tilespmem:v14+s29+$0x0] =	vst.idx.msk $0xffff, v13  }
0x19b: {  	v13 =	vld [tilespmem:s19+$0x0];
	[tilespmem:v54+s29+$0x0] =	vst.idx.msk $0xffff, v12  }
0x19c: {  	v55 =	vadd.s32 v2, v5;
	v56 =	vld [tilespmem:s20+$0x0]  }
0x19d: {  	v57 =	vadd.s32 v2, v6  }
0x19e: {  	v17 =	vadd.s32 v2, v7  }
0x19f: {  	v11 =	vmul.f32 $8.000000000e+00, v11  }
0x1a0: {  	[tilespmem:v10+s29+$0x0] =	vst.idx.msk $0xffff, v15;
	v58 =	vmul.f32 $8.000000000e+00, v13  }
0x1a1: {  	v59 =	vld [tilespmem:s17+$0x10];
	[tilespmem:v55+s29+$0x0] =	vst.idx.msk $0xffff, v11;
	v60 =	vmul.f32 $8.000000000e+00, v56  }
0x1a2: {  	v12 =	vld [tilespmem:s18+$0x10];
	[tilespmem:v57+s29+$0x0] =	vst.idx.msk $0xffff, v58  }
0x1a3: {  	v4 =	vadd.s32 v3, v4;
	v10 =	vld [tilespmem:s19+$0x10];
	[tilespmem:v17+s29+$0x0] =	vst.idx.msk $0xffff, v60  }
0x1a4: {  	v5 =	vadd.s32 v3, v5;
	v11 =	vld [tilespmem:s20+$0x10]  }
0x1a5: {  	v9 =	vmul.f32 $8.000000000e+00, v9;
	v61 =	vadd.s32 v3, v6  }
0x1a6: {  	v62 =	vadd.s32 v3, v7;
	v13 =	vmul.f32 $8.000000000e+00, v59  }
0x1a7: {  	[tilespmem:v8+s29+$0x0] =	vst.idx.msk $0xffff, v9;
	v63 =	vmul.f32 $8.000000000e+00, v12  }
0x1a8: {  	[tilespmem:v4+s29+$0x0] =	vst.idx.msk $0xffff, v13;
	v4 =	vmul.f32 $8.000000000e+00, v10  }
0x1a9: {  	[tilespmem:v5+s29+$0x0] =	vst.idx.msk $0xffff, v63;
	v5 =	vmul.f32 $8.000000000e+00, v11  }
0x1aa: {  	s6 =	sadd.s32 @!p0 $0x380, s15;
	[tilespmem:v61+s29+$0x0] =	vst.idx.msk $0xffff, v4  }
0x1ab: {  	s10 =	simm.s32 @!p0 $0x80;
	s15 =	simm.s32 @!p0 $0xC400;
	s6 =	sand.u32 @!p0 $0xFF80, s6;
	[tilespmem:v62+s29+$0x0] =	vst.idx.msk $0xffff, v5  }
0x1ac: {  	[tilespmem:s15], [sflag:$0x4] =	stream.indirect.gather @!p0 [hbm4b:s5+s10], $0x40, s6, s10, $0xb8;
	[tilespmem:$0x17400] =	vst v63  }
0x1ad: {  	s16 =	sadd.s32 s16, s9;
	s20 =	simm.s32 $0x15000  }
0x1ae: {  	[hbm4b:s16+s3] =	stream.linear.scatter [tilespmem:s20], [sflag:$0x8], $0x80, $0x38;
	[tilespmem:$0x17400] =	vst v63  }
0x1af: {  	s10 =	simm.s32 $0x15090;
	s15 =	sadd.s32 $0x10, s16  }
0x1b0: {  	[hbm4b:s15+s3] =	stream.linear.scatter [tilespmem:s10], [sflag:$0x8], $0x80, $0x38;
	[tilespmem:$0x17400] =	vst v63  }
0x1b1: {  	s17 =	simm.s32 $0x15120;
	s18 =	sadd.s32 $0x20, s16;
	s19 =	simm.s32 $0x151B0  }
0x1b2: {  	[hbm4b:s18+s3] =	stream.linear.scatter [tilespmem:s17], [sflag:$0x8], $0x80, $0x38;
	[tilespmem:$0x17400] =	vst v63  }
0x1b3: {  	s6 =	simm.s32 $0x2400;
	s20 =	sadd.s32 $0x30, s16;
	s10 =	simm.s32 $0x15240  }
0x1b4: {  	[hbm4b:s20+s3] =	stream.linear.scatter [tilespmem:s19], [sflag:$0x8], $0x80, $0x38;
	[tilespmem:$0x17400] =	vst v63  }
0x1b5: {  	s15 =	sadd.s32 $0x40, s16;
	s17 =	simm.s32 $0x152D0;
	s18 =	sadd.s32 $0x50, s16  }
0x1b6: {  	[hbm4b:s15+s3] =	stream.linear.scatter [tilespmem:s10], [sflag:$0x8], $0x80, $0x38;
	[tilespmem:$0x17400] =	vst v63  }
0x1b7: {  	s19 =	simm.s32 $0x15360;
	s20 =	sadd.s32 $0x60, s16;
	s15 =	simm.s32 $0x480  }
0x1b8: {  	[hbm4b:s18+s3] =	stream.linear.scatter [tilespmem:s17], [sflag:$0x8], $0x80, $0x38;
	[tilespmem:$0x17400] =	vst v63  }
0x1b9: {  	s10 =	simm.s32 $0x153F0;
	s17 =	sadd.s32 $0x70, s16;
	s16 =	sadd.s32 $0x1000, s16  }
0x1ba: {  	[hbm4b:s20+s3] =	stream.linear.scatter [tilespmem:s19], [sflag:$0x8], $0x80, $0x38;
	[tilespmem:$0x17400] =	vst v63  }
.LBB2_17:
0x1bb: {  	[hbm4b:s17+s3] =	stream.linear.scatter [tilespmem:s10], [sflag:$0x8], $0x80, $0x38;
	[tilespmem:$0x17400] =	vst v63  }
0x1bc: {  	s10 =	smov.u32 s15;
	s15 =	smov.u32 s6  }
0x1bd: {  	s18 =	sadd.s32 $0x1200, s6;
	s15 =	sshra.s32 s15, $0x2;
	s17 =	sadd.s32 $0x15000, s10  }
0x1be: {  	[hbm4b:s16+s3] =	stream.linear.scatter [tilespmem:s17], [sflag:$0x8], $0x80, $0x38;
	[tilespmem:$0x17400] =	vst v63  }
0x1bf: {  	p0 =	sne.s32 s6, $0x7E00;
	s6 =	sadd.s32 $0x15090, s10;
	s17 =	sadd.s32 $0x10, s16  }
0x1c0: {  	[hbm4b:s17+s3] =	stream.linear.scatter [tilespmem:s6], [sflag:$0x8], $0x80, $0x38;
	[tilespmem:$0x17400] =	vst v63  }
0x1c1: {  	s6 =	sadd.s32 $0x15120, s10;
	s17 =	sadd.s32 $0x20, s16  }
0x1c2: {  	[hbm4b:s17+s3] =	stream.linear.scatter [tilespmem:s6], [sflag:$0x8], $0x80, $0x38;
	[tilespmem:$0x17400] =	vst v63  }
0x1c3: {  	s6 =	sadd.s32 $0x151B0, s10;
	s17 =	sadd.s32 $0x30, s16  }
0x1c4: {  	[hbm4b:s17+s3] =	stream.linear.scatter [tilespmem:s6], [sflag:$0x8], $0x80, $0x38;
	[tilespmem:$0x17400] =	vst v63  }
0x1c5: {  	s6 =	sadd.s32 $0x15240, s10;
	s17 =	sadd.s32 $0x40, s16  }
0x1c6: {  	[hbm4b:s17+s3] =	stream.linear.scatter [tilespmem:s6], [sflag:$0x8], $0x80, $0x38;
	[tilespmem:$0x17400] =	vst v63  }
.Ltmp7:
0x1c7: {  	s6 =	sadd.s32 $0x152D0, s10;
	s17 =	sadd.s32 $0x50, s16;
	(pc) =	sbr.rel @p0 .LBB2_17-.Ltmp7, $4  }
0x1c8: {  	[hbm4b:s17+s3] =	stream.linear.scatter [tilespmem:s6], [sflag:$0x8], $0x80, $0x38;
	[tilespmem:$0x17400] =	vst v63  }
0x1c9: {  	s6 =	sadd.s32 $0x15360, s10;
	s17 =	sadd.s32 $0x60, s16;
	s10 =	sadd.s32 $0x153F0, s10  }
0x1ca: {  	[hbm4b:s17+s3] =	stream.linear.scatter [tilespmem:s6], [sflag:$0x8], $0x80, $0x38;
	[tilespmem:$0x17400] =	vst v63  }
0x1cb: {  	s17 =	sadd.s32 $0x70, s16;
	s16 =	sadd.s32 $0x1000, s16;
	s6 =	smov.u32 s18  }
0x1cc: {  	[hbm4b:s17+s3] =	stream.linear.scatter [tilespmem:s10], [sflag:$0x8], $0x80, $0x38;
	[tilespmem:$0x17400] =	vst v63  }
0x1cd: {  	s6 =	sadd.s32 $0x15000, s15  }
0x1ce: {  	[hbm4b:s16+s3] =	stream.linear.scatter [tilespmem:s6], [sflag:$0x8], $0x80, $0x38;
	[tilespmem:$0x17400] =	vst v63  }
0x1cf: {  	s19 =	sadd.s32 $0x15090, s15;
	s20 =	sadd.s32 $0x10, s16  }
0x1d0: {  	[hbm4b:s20+s3] =	stream.linear.scatter [tilespmem:s19], [sflag:$0x8], $0x80, $0x38;
	[tilespmem:$0x17400] =	vst v63  }
0x1d1: {  	s17 =	sadd.s32 $0x15120, s15;
	s18 =	sadd.s32 $0x20, s16  }
0x1d2: {  	[hbm4b:s18+s3] =	stream.linear.scatter [tilespmem:s17], [sflag:$0x8], $0x80, $0x38;
	[tilespmem:$0x17400] =	vst v63  }
0x1d3: {  	s19 =	sadd.s32 $0x151B0, s15;
	s20 =	sadd.s32 $0x30, s16  }
0x1d4: {  	[hbm4b:s20+s3] =	stream.linear.scatter [tilespmem:s19], [sflag:$0x8], $0x80, $0x38;
	[tilespmem:$0x17400] =	vst v63  }
0x1d5: {  	s12 =	sadd.s32 $0x1, s12;
	s17 =	sadd.s32 $0x15240, s15;
	s18 =	sadd.s32 $0x40, s16  }
0x1d6: {  	[hbm4b:s18+s3] =	stream.linear.scatter [tilespmem:s17], [sflag:$0x8], $0x80, $0x38;
	[tilespmem:$0x17400] =	vst v63  }
0x1d7: {  	p0 =	sne.s32 s12, $0x32;
	s19 =	sadd.s32 $0x152D0, s15;
	s20 =	sadd.s32 $0x50, s16  }
0x1d8: {  	[hbm4b:s20+s3] =	stream.linear.scatter [tilespmem:s19], [sflag:$0x8], $0x80, $0x38;
	[tilespmem:$0x17400] =	vst v63  }
.Ltmp8:
0x1d9: {  	_ = 	snop;
	(pc) =	sbr.rel @p0 .LBB2_2-.Ltmp8, $4  }
0x1da: {  	s17 =	sadd.s32 $0x15360, s15;
	s18 =	sadd.s32 $0x60, s16  }
0x1db: {  	[hbm4b:s18+s3] =	stream.linear.scatter [tilespmem:s17], [sflag:$0x8], $0x80, $0x38;
	[tilespmem:$0x17400] =	vst v63  }
0x1dc: {  	s19 =	sadd.s32 $0x153F0, s15;
	s20 =	sadd.s32 $0x70, s16  }
0x1dd: {  	[hbm4b:s20+s3] =	stream.linear.scatter [tilespmem:s19], [sflag:$0x8], $0x80, $0x38;
	[tilespmem:$0x17400] =	vst v63  }
0x1de: {  	_ =	swait.ge [sflag:s30], $0x2000  }
0x1df: {  	[sflag:s30] =	ssyncset.done $0x0  }
0x1e0: {  	[sflag:s30] =	ssyncadd.s32 $0xFFFFE000  }
0x1e1: {  	_ =	swait.ge [sflag:s31], $0x2000  }
0x1e2: {  	[sflag:s31] =	ssyncset.done $0x0  }
0x1e3: {  	[sflag:s31] =	ssyncadd.s32 $0xFFFFE000  }
0x1e4: {  	_ =	swait.ge [sflag:s0], $0x2000  }
0x1e5: {  	[sflag:s0] =	ssyncset.done $0x0  }
0x1e6: {  	[sflag:s0] =	ssyncadd.s32 $0xFFFFE000  }
0x1e7: {  	_ =	swait.ge [sflag:s1], $0x2000  }
0x1e8: {  	s11 =	sadd.s32 $0x1, s11;
	s6 =	rddreg [dreg:$0x5]  }
0x1e9: {  	p0 =	sne.s32 s11, s6  }
.Ltmp9:
0x1ea: {  	_ = 	snop;
	(pc) =	sbr.rel @p0 .LBB2_1-.Ltmp9, $3  }
0x1eb: {  	_ =	sdelay $0x1  }
0x1ec: {  	[sflag:s1] =	ssyncset.done $0x0  }
0x1ed: {  	[sflag:s1] =	ssyncadd.s32 $0xFFFFE000  }
0x1ee: {  	_ =	sfence.sel $0x180000  }
0x1ef: {  	[bflag:$0x0] =	sbarrier.arrive $0xFFFF  }
0x1f0: {  	_ =	strace $0x90000047  }
0x1f1: {  	s0 =	stileid.u32;
	[bflag:$0x2] =	sbarrier.arrive $0xFFFF  }
0x1f2: {  	p0 =	sne.s32 s0, $0x0;
	s0 =	rddreg [dreg:$0x3]  }
0x1f3: {  	s0 =	sadd.s32 @!p0 $0x100000, s0  }
0x1f4: {  	[sflag:s0] =	ssyncadd.tile.s32 @!p0 $0x1;
	_ =	shalt  }
.Lfunc_end2:
_tile_overlayer_lowered:
.L_overlay_start_2:
0x1f5: {  	(tag) =	ssettag $0x2  }
0x1f6: {  	s0 =	rddreg [dreg:$0x0];
	s2 =	stileid.u32  }
0x1f7: {  	s1 =	rddreg [dreg:$0x1];
	p0 =	sne.s32 s2, $0x0  }
0x1f8: {  	s3 =	rddreg [dreg:$0x2];
	[bflag:$0x3] =	sbarrier.arrive $0xFFFF;
	s2 =	simm.s32 @!p0 $0x1C09  }
0x1f9: {  	[timem:s3], [sflag:s2] =	dma.local @!p0 [hbm:s0], s1  }
0x1fa: {  	s0 =	simm.s32 @!p0 $0x9  }
0x1fb: {  	_ =	swait.ge @!p0 [sflag:s0], s1  }
0x1fc: {  	s1 =	ssub.s32 @!p0 $0x0, s1;
	[sflag:s0] =	ssyncset.done @!p0 $0x0  }
0x1fd: {  	[sflag:s0] =	ssyncadd.s32 @!p0 s1  }
0x1fe: {  	[bflag:$0x3] =	sbarrier.arrive $0xFFFF  }
0x1ff: {  	_ =	shalt  }

</sc_bundles>
